<compile_context>
chip_gen: v7x
topology: tpu7x:2x2x1
jax: 0.10.2.dev20260603
libtpu: 0.0.44.dev20260713+nightly
codegen_flags: <defaults>
</compile_context>

<pallas_src>
import functools

import jax
import jax.numpy as jnp
from jax import lax
from jax.experimental import pallas as pl
from jax.experimental.pallas import tpu as pltpu
from jax.experimental.pallas import tpu_sc as plsc

N = 10000
D = 128
NC, NS = 2, 16
NW = NC * NS
B = 128
N_PAD = 10240
ROWS_PER_TILE = N_PAD // NS
R = 2048

_MESH = plsc.VectorSubcoreMesh(
    core_axis_name="c", subcore_axis_name="s", num_cores=NC, num_subcores=NS)



def _make_deg_kernel(k):
    @functools.partial(
        pl.kernel,
        out_type=jax.ShapeDtypeStruct((NC, N_PAD), jnp.float32),
        mesh=_MESH,
        scratch_types=[
            pltpu.VMEM((k, B), jnp.int32),
            pltpu.VMEM((ROWS_PER_TILE + B,), jnp.float32),
            pltpu.VMEM_SHARED((N_PAD,), jnp.float32),
        ],
    )
    def deg_kernel(dst_hbm, const_hbm, out_hbm, dst_v, const_v, acc):
        c = lax.axis_index("c")
        s = lax.axis_index("s")
        wid = c * NS + s
        pltpu.sync_copy(dst_hbm.at[wid], dst_v)
        pltpu.sync_copy(const_hbm, const_v)
        pltpu.sync_copy(const_v.at[pl.ds(0, ROWS_PER_TILE)],
                        acc.at[pl.ds(s * ROWS_PER_TILE, ROWS_PER_TILE)])
        plsc.subcore_barrier()

        def body(j, carry):
            pltpu.sync_copy(const_v.at[pl.ds(ROWS_PER_TILE, B)],
                            acc.at[dst_v.at[j]], add=True)
            return carry

        lax.fori_loop(0, k, body, 0)
        plsc.subcore_barrier()
        pltpu.sync_copy(acc.at[pl.ds(s * ROWS_PER_TILE, ROWS_PER_TILE)],
                        out_hbm.at[c, pl.ds(s * ROWS_PER_TILE, ROWS_PER_TILE)])

    return deg_kernel


def _make_pass_kernel(k):
    @functools.partial(
        pl.kernel,
        out_type=jax.ShapeDtypeStruct((NC, N_PAD, D), jnp.float32),
        mesh=_MESH,
        scratch_types=[
            pltpu.VMEM((k, B), jnp.int32),
            pltpu.VMEM((k, B), jnp.int32),
            pltpu.VMEM((B, D), jnp.float32),
            pltpu.VMEM_SHARED((N_PAD, D), jnp.float32),
            pltpu.SemaphoreType.DMA,
        ],
    )
    def pass_kernel(y_hbm, src_hbm, dst_hbm, zeros_hbm, out_hbm,
                    src_v, dst_v, rows_v, acc, sem):
        c = lax.axis_index("c")
        s = lax.axis_index("s")
        wid = c * NS + s
        pltpu.sync_copy(src_hbm.at[wid], src_v)
        pltpu.sync_copy(dst_hbm.at[wid], dst_v)
        pltpu.sync_copy(zeros_hbm, rows_v)
        for i in range(ROWS_PER_TILE // B):
            pltpu.sync_copy(rows_v,
                            acc.at[pl.ds(s * ROWS_PER_TILE + i * B, B)])
        plsc.subcore_barrier()

        def body(j, carry):
            pltpu.async_copy(y_hbm.at[src_v.at[j]], rows_v, sem).wait()
            pltpu.sync_copy(rows_v, acc.at[dst_v.at[j]], add=True)
            return carry

        lax.fori_loop(0, k, body, 0)
        plsc.subcore_barrier()
        pltpu.sync_copy(acc.at[pl.ds(s * ROWS_PER_TILE, ROWS_PER_TILE)],
                        out_hbm.at[c, pl.ds(s * ROWS_PER_TILE, ROWS_PER_TILE)])

    return pass_kernel



def _dis_block(deg_ref):
    d = deg_ref[0] + deg_ref[1] + 1.0
    return lax.rsqrt(d)


def _pre_body(x_ref, w1_ref, wr_ref, br_ref, deg_ref, y1_ref, res_ref):
    dis = _dis_block(deg_ref)
    xb = x_ref[...]
    y1_ref[...] = jnp.dot(xb, w1_ref[...],
                          preferred_element_type=jnp.float32) * dis
    res_ref[...] = jnp.dot(xb, wr_ref[...],
                           preferred_element_type=jnp.float32) + br_ref[...]


def _mid_body(acc_ref, y1_ref, b1_ref, w2_ref, deg_ref, y2_ref):
    dis = _dis_block(deg_ref)
    h = dis * (acc_ref[0] + acc_ref[1] + y1_ref[...]) + b1_ref[...]
    h = jnp.maximum(h, 0.0)
    y2_ref[...] = jnp.dot(h, w2_ref[...],
                          preferred_element_type=jnp.float32) * dis


def _post_body(acc_ref, y2_ref, b2_ref, res_ref, deg_ref, out_ref):
    dis = _dis_block(deg_ref)
    out_ref[...] = (dis * (acc_ref[0] + acc_ref[1] + y2_ref[...])
                    + b2_ref[...] + res_ref[...])


_row_spec = pl.BlockSpec((R, D), lambda i: (i, 0))
_acc_spec = pl.BlockSpec((NC, R, D), lambda i: (0, i, 0))
_deg_spec = pl.BlockSpec((NC, R, 1), lambda i: (0, i, 0))
_w_spec = pl.BlockSpec((D, D), lambda i: (0, 0))
_b_spec = pl.BlockSpec((1, D), lambda i: (0, 0))
_GRID = N_PAD // R


def _tc_pre(x_pad, W1, Wr, br2, degp):
    return pl.pallas_call(
        _pre_body,
        grid=(_GRID,),
        in_specs=[_row_spec, _w_spec, _w_spec, _b_spec, _deg_spec],
        out_specs=[_row_spec, _row_spec],
        out_shape=[jax.ShapeDtypeStruct((N_PAD, D), jnp.float32),
                   jax.ShapeDtypeStruct((N_PAD, D), jnp.float32)],
    )(x_pad, W1, Wr, br2, degp)


def _tc_mid(acc1, y1, b12, W2, degp):
    return pl.pallas_call(
        _mid_body,
        grid=(_GRID,),
        in_specs=[_acc_spec, _row_spec, _b_spec, _w_spec, _deg_spec],
        out_specs=_row_spec,
        out_shape=jax.ShapeDtypeStruct((N_PAD, D), jnp.float32),
    )(acc1, y1, b12, W2, degp)


def _tc_post(acc2, y2, b22, res, degp):
    return pl.pallas_call(
        _post_body,
        grid=(_GRID,),
        in_specs=[_acc_spec, _row_spec, _b_spec, _row_spec, _deg_spec],
        out_specs=_row_spec,
        out_shape=jax.ShapeDtypeStruct((N_PAD, D), jnp.float32),
    )(acc2, y2, b22, res, degp)



def kernel(x, edge_index, W1, b1, W2, b2, Wr, br):
    E = edge_index.shape[1]
    k = -(-E // (NW * B))
    e_pad = NW * B * k

    src = edge_index[0].astype(jnp.int32)
    dst = edge_index[1].astype(jnp.int32)
    src3 = jnp.concatenate(
        [src, jnp.zeros((e_pad - E,), jnp.int32)]).reshape(NW, k, B)
    dst3 = jnp.concatenate(
        [dst, jnp.full((e_pad - E,), N, jnp.int32)]).reshape(NW, k, B)

    x_pad = jnp.pad(x, ((0, N_PAD - N), (0, 0)))
    consts = jnp.concatenate([jnp.zeros((ROWS_PER_TILE,), jnp.float32),
                              jnp.ones((B,), jnp.float32)])
    zeros_rows = jnp.zeros((B, D), jnp.float32)
    br2 = br.reshape(1, D)
    b12 = b1.reshape(1, D)
    b22 = b2.reshape(1, D)

    deg_k = _make_deg_kernel(k)
    pass_k = _make_pass_kernel(k)

    degp = deg_k(dst3, consts).reshape(NC, N_PAD, 1)
    y1, res = _tc_pre(x_pad, W1, Wr, br2, degp)
    acc1 = pass_k(y1, src3, dst3, zeros_rows)
    y2 = _tc_mid(acc1, y1, b12, W2, degp)
    acc2 = pass_k(y2, src3, dst3, zeros_rows)
    out = _tc_post(acc2, y2, b22, res, degp)
    return out[:N]

# --- scband reference (transcript-rebuilt; emitter-appended) ---
"""Pipeline reference for scband-graph-residual-block-12953621364741 (READ-ONLY COPY).

The authoritative reference and input builder live on the scoring server;
editing this copy changes nothing except your own understanding.
"""

import jax, jax.numpy as jnp
import numpy as np

N = 10000
E = 320000
D_IN = 128
D_OUT = 128


def setup_inputs(seed: int = 0) -> dict:
    key = jax.random.key(seed)
    ks = jax.random.split(key, 8)
    x = jax.random.normal(ks[0], (N, D_IN), dtype=jnp.float32)
    edge_index = jax.random.randint(ks[1], (2, E), 0, N, dtype=jnp.int64)
    s1 = 1.0 / np.sqrt(D_IN)
    s2 = 1.0 / np.sqrt(D_OUT)
    W1 = jax.random.uniform(ks[2], (D_IN, D_OUT), dtype=jnp.float32, minval=-s1, maxval=s1)
    b1 = jnp.zeros((D_OUT,), dtype=jnp.float32)
    W2 = jax.random.uniform(ks[3], (D_OUT, D_OUT), dtype=jnp.float32, minval=-s2, maxval=s2)
    b2 = jnp.zeros((D_OUT,), dtype=jnp.float32)
    Wr = jax.random.uniform(ks[4], (D_IN, D_OUT), dtype=jnp.float32, minval=-s1, maxval=s1)
    br = jax.random.uniform(ks[5], (D_OUT,), dtype=jnp.float32, minval=-s1, maxval=s1)
    return {"x": x, "edge_index": edge_index, "W1": W1, "b1": b1, "W2": W2, "b2": b2, "Wr": Wr, "br": br}


def _gcn_conv(x, src, dst, deg_inv_sqrt, W, b, num_nodes):
    # PyG GCNConv: x' = D^{-1/2} (A + I) D^{-1/2} (x W) + b
    xW = x @ W
    norm = deg_inv_sqrt[src] * deg_inv_sqrt[dst]
    msg = xW[src] * norm[:, None]
    out = jnp.zeros((num_nodes, xW.shape[1]), dtype=xW.dtype).at[dst].add(msg)
    return out + b


def reference(x, edge_index, W1, b1, W2, b2, Wr, br):
    loop = jnp.arange(N, dtype=edge_index.dtype)
    src = jnp.concatenate([edge_index[0], loop])
    dst = jnp.concatenate([edge_index[1], loop])
    deg = jnp.zeros((N,), dtype=jnp.float32).at[dst].add(1.0)
    deg_inv_sqrt = jnp.where(deg > 0, 1.0 / jnp.sqrt(deg), 0.0)
    residual = x @ Wr + br
    h = _gcn_conv(x, src, dst, deg_inv_sqrt, W1, b1, N)
    h = jax.nn.relu(h)
    h = _gcn_conv(h, src, dst, deg_inv_sqrt, W2, b2, N)
    return h + residual

if __name__ == "__main__":
    import jax
    _d = setup_inputs()
    print(jax.jit(kernel)(*tuple(_d.values())))

</pallas_src>

<mosaic_0001>
#map = affine_map<(d0, d1) -> (0, 0)>
#map1 = affine_map<(d0, d1) -> (0, 0, 0)>
module attributes {stable_mosaic.version = 14 : i64} {
  func.func @pass_kernel(%arg0: i32, %arg1: i32, %arg2: memref<10240x128xf32, #tpu.memory_space<hbm>>, %arg3: memref<32x79x128xi32, #tpu.memory_space<hbm>>, %arg4: memref<32x79x128xi32, #tpu.memory_space<hbm>>, %arg5: memref<128x128xf32, #tpu.memory_space<hbm>>, %arg6: memref<2x10240x128xf32, #tpu.memory_space<hbm>>, %arg7: memref<79x128xi32, #tpu.memory_space<vmem>>, %arg8: memref<79x128xi32, #tpu.memory_space<vmem>>, %arg9: memref<128x128xf32, #tpu.memory_space<vmem>>, %arg10: memref<10240x128xf32, #tpu.memory_space<vmem_shared>>, %arg11: memref<!tpu.dma_semaphore, #tpu.memory_space<semaphore_mem>>) attributes {dimension_semantics = [#tpu.dimension_semantics<core_parallel>, #tpu.dimension_semantics<subcore_parallel>], iteration_bounds = array<i64: 2, 16>, scalar_prefetch = 0 : i64, scratch_operands = 5 : i64, tpu.core_type = #tpu.core_type<sc_vector_subcore>, window_params = [{transform_indices = #map}, {transform_indices = #map1}, {transform_indices = #map1}, {transform_indices = #map}, {transform_indices = #map1}]} {
    %mul3A = arith.constant 16 : i32
    %mul3A_0 = arith.muli %arg0, %mul3A : i32
    %add3A = arith.addi %mul3A_0, %arg1 : i32
    "tpu.region"() ({
      %run_scoped3A = tpu.sem_alloc : memref<!tpu.dma_semaphore, #tpu.memory_space<semaphore_mem>>
      %dma_start3A = arith.constant 0 : i32
      %dma_start3A_31 = arith.constant 0 : i32
      %dma_start3A_32 = tpu.memref_slice %arg3[%add3A, %dma_start3A, %dma_start3A_31] : memref<32x79x128xi32, #tpu.memory_space<hbm>> -> memref<1x79x128xi32, #tpu.memory_space<hbm>>
      %dma_start3A_33 = tpu.memref_squeeze %dma_start3A_32 : memref<1x79x128xi32, #tpu.memory_space<hbm>> -> memref<79x128xi32, #tpu.memory_space<hbm>>
      %dma_start3A_34 = arith.constant 0 : i32
      %dma_start3A_35 = arith.constant 0 : i32
      %dma_start3A_36 = tpu.memref_slice %arg3[%add3A, %dma_start3A_34, %dma_start3A_35] : memref<32x79x128xi32, #tpu.memory_space<hbm>> -> memref<1x79x128xi32, #tpu.memory_space<hbm>>
      %dma_start3A_37 = tpu.memref_squeeze %dma_start3A_36 : memref<1x79x128xi32, #tpu.memory_space<hbm>> -> memref<79x128xi32, #tpu.memory_space<hbm>>
      tpu.enqueue_dma source(%dma_start3A_37 : memref<79x128xi32, #tpu.memory_space<hbm>>) target(%arg7 : memref<79x128xi32, #tpu.memory_space<vmem>>) target_semaphore(%run_scoped3A : memref<!tpu.dma_semaphore, #tpu.memory_space<semaphore_mem>>)
      %dma_wait3A = arith.constant 0 : i32
      %dma_wait3A_38 = arith.constant 0 : i32
      %dma_wait3A_39 = tpu.memref_slice %arg3[%add3A, %dma_wait3A, %dma_wait3A_38] : memref<32x79x128xi32, #tpu.memory_space<hbm>> -> memref<1x79x128xi32, #tpu.memory_space<hbm>>
      %dma_wait3A_40 = tpu.memref_squeeze %dma_wait3A_39 : memref<1x79x128xi32, #tpu.memory_space<hbm>> -> memref<79x128xi32, #tpu.memory_space<hbm>>
      %dma_wait3A_41 = arith.constant 0 : i32
      %dma_wait3A_42 = arith.constant 0 : i32
      %dma_wait3A_43 = tpu.memref_slice %arg3[%add3A, %dma_wait3A_41, %dma_wait3A_42] : memref<32x79x128xi32, #tpu.memory_space<hbm>> -> memref<1x79x128xi32, #tpu.memory_space<hbm>>
      %dma_wait3A_44 = tpu.memref_squeeze %dma_wait3A_43 : memref<1x79x128xi32, #tpu.memory_space<hbm>> -> memref<79x128xi32, #tpu.memory_space<hbm>>
      tpu.wait_dma2 semaphore(%run_scoped3A : memref<!tpu.dma_semaphore, #tpu.memory_space<semaphore_mem>>) src(%dma_wait3A_44 : memref<79x128xi32, #tpu.memory_space<hbm>>) dst(%arg7 : memref<79x128xi32, #tpu.memory_space<vmem>>)
      tpu.yield
    }) : () -> ()
    "tpu.region"() ({
      %run_scoped3A = tpu.sem_alloc : memref<!tpu.dma_semaphore, #tpu.memory_space<semaphore_mem>>
      %dma_start3A = arith.constant 0 : i32
      %dma_start3A_31 = arith.constant 0 : i32
      %dma_start3A_32 = tpu.memref_slice %arg4[%add3A, %dma_start3A, %dma_start3A_31] : memref<32x79x128xi32, #tpu.memory_space<hbm>> -> memref<1x79x128xi32, #tpu.memory_space<hbm>>
      %dma_start3A_33 = tpu.memref_squeeze %dma_start3A_32 : memref<1x79x128xi32, #tpu.memory_space<hbm>> -> memref<79x128xi32, #tpu.memory_space<hbm>>
      %dma_start3A_34 = arith.constant 0 : i32
      %dma_start3A_35 = arith.constant 0 : i32
      %dma_start3A_36 = tpu.memref_slice %arg4[%add3A, %dma_start3A_34, %dma_start3A_35] : memref<32x79x128xi32, #tpu.memory_space<hbm>> -> memref<1x79x128xi32, #tpu.memory_space<hbm>>
      %dma_start3A_37 = tpu.memref_squeeze %dma_start3A_36 : memref<1x79x128xi32, #tpu.memory_space<hbm>> -> memref<79x128xi32, #tpu.memory_space<hbm>>
      tpu.enqueue_dma source(%dma_start3A_37 : memref<79x128xi32, #tpu.memory_space<hbm>>) target(%arg8 : memref<79x128xi32, #tpu.memory_space<vmem>>) target_semaphore(%run_scoped3A : memref<!tpu.dma_semaphore, #tpu.memory_space<semaphore_mem>>)
      %dma_wait3A = arith.constant 0 : i32
      %dma_wait3A_38 = arith.constant 0 : i32
      %dma_wait3A_39 = tpu.memref_slice %arg4[%add3A, %dma_wait3A, %dma_wait3A_38] : memref<32x79x128xi32, #tpu.memory_space<hbm>> -> memref<1x79x128xi32, #tpu.memory_space<hbm>>
      %dma_wait3A_40 = tpu.memref_squeeze %dma_wait3A_39 : memref<1x79x128xi32, #tpu.memory_space<hbm>> -> memref<79x128xi32, #tpu.memory_space<hbm>>
      %dma_wait3A_41 = arith.constant 0 : i32
      %dma_wait3A_42 = arith.constant 0 : i32
      %dma_wait3A_43 = tpu.memref_slice %arg4[%add3A, %dma_wait3A_41, %dma_wait3A_42] : memref<32x79x128xi32, #tpu.memory_space<hbm>> -> memref<1x79x128xi32, #tpu.memory_space<hbm>>
      %dma_wait3A_44 = tpu.memref_squeeze %dma_wait3A_43 : memref<1x79x128xi32, #tpu.memory_space<hbm>> -> memref<79x128xi32, #tpu.memory_space<hbm>>
      tpu.wait_dma2 semaphore(%run_scoped3A : memref<!tpu.dma_semaphore, #tpu.memory_space<semaphore_mem>>) src(%dma_wait3A_44 : memref<79x128xi32, #tpu.memory_space<hbm>>) dst(%arg8 : memref<79x128xi32, #tpu.memory_space<vmem>>)
      tpu.yield
    }) : () -> ()
    "tpu.region"() ({
      %run_scoped3A = tpu.sem_alloc : memref<!tpu.dma_semaphore, #tpu.memory_space<semaphore_mem>>
      tpu.enqueue_dma source(%arg5 : memref<128x128xf32, #tpu.memory_space<hbm>>) target(%arg9 : memref<128x128xf32, #tpu.memory_space<vmem>>) target_semaphore(%run_scoped3A : memref<!tpu.dma_semaphore, #tpu.memory_space<semaphore_mem>>)
      tpu.wait_dma2 semaphore(%run_scoped3A : memref<!tpu.dma_semaphore, #tpu.memory_space<semaphore_mem>>) src(%arg5 : memref<128x128xf32, #tpu.memory_space<hbm>>) dst(%arg9 : memref<128x128xf32, #tpu.memory_space<vmem>>)
      tpu.yield
    }) : () -> ()
    %mul3A_1 = arith.constant 640 : i32
    %mul3A_2 = arith.muli %arg1, %mul3A_1 : i32
    %add3A_3 = arith.constant 0 : i32
    %add3A_4 = arith.addi %mul3A_2, %add3A_3 : i32
    "tpu.region"() ({
      %run_scoped3A = tpu.sem_alloc : memref<!tpu.dma_semaphore, #tpu.memory_space<semaphore_mem>>
      %dma_start3A = arith.constant 0 : i32
      %dma_start3A_31 = tpu.memref_slice %arg10[%add3A_4, %dma_start3A] : memref<10240x128xf32, #tpu.memory_space<vmem_shared>> -> memref<128x128xf32, #tpu.memory_space<vmem_shared>>
      %dma_start3A_32 = arith.constant 0 : i32
      %dma_start3A_33 = tpu.memref_slice %arg10[%add3A_4, %dma_start3A_32] : memref<10240x128xf32, #tpu.memory_space<vmem_shared>> -> memref<128x128xf32, #tpu.memory_space<vmem_shared>>
      tpu.enqueue_dma source(%arg9 : memref<128x128xf32, #tpu.memory_space<vmem>>) target(%dma_start3A_33 : memref<128x128xf32, #tpu.memory_space<vmem_shared>>) target_semaphore(%run_scoped3A : memref<!tpu.dma_semaphore, #tpu.memory_space<semaphore_mem>>)
      %dma_wait3A = arith.constant 0 : i32
      %dma_wait3A_34 = tpu.memref_slice %arg10[%add3A_4, %dma_wait3A] : memref<10240x128xf32, #tpu.memory_space<vmem_shared>> -> memref<128x128xf32, #tpu.memory_space<vmem_shared>>
      %dma_wait3A_35 = arith.constant 0 : i32
      %dma_wait3A_36 = tpu.memref_slice %arg10[%add3A_4, %dma_wait3A_35] : memref<10240x128xf32, #tpu.memory_space<vmem_shared>> -> memref<128x128xf32, #tpu.memory_space<vmem_shared>>
      tpu.wait_dma2 semaphore(%run_scoped3A : memref<!tpu.dma_semaphore, #tpu.memory_space<semaphore_mem>>) src(%arg9 : memref<128x128xf32, #tpu.memory_space<vmem>>) dst(%dma_wait3A_36 : memref<128x128xf32, #tpu.memory_space<vmem_shared>>)
      tpu.yield
    }) : () -> ()
    %mul3A_5 = arith.constant 640 : i32
    %mul3A_6 = arith.muli %arg1, %mul3A_5 : i32
    %add3A_7 = arith.constant 128 : i32
    %add3A_8 = arith.addi %mul3A_6, %add3A_7 : i32
    "tpu.region"() ({
      %run_scoped3A = tpu.sem_alloc : memref<!tpu.dma_semaphore, #tpu.memory_space<semaphore_mem>>
      %dma_start3A = arith.constant 0 : i32
      %dma_start3A_31 = tpu.memref_slice %arg10[%add3A_8, %dma_start3A] : memref<10240x128xf32, #tpu.memory_space<vmem_shared>> -> memref<128x128xf32, #tpu.memory_space<vmem_shared>>
      %dma_start3A_32 = arith.constant 0 : i32
      %dma_start3A_33 = tpu.memref_slice %arg10[%add3A_8, %dma_start3A_32] : memref<10240x128xf32, #tpu.memory_space<vmem_shared>> -> memref<128x128xf32, #tpu.memory_space<vmem_shared>>
      tpu.enqueue_dma source(%arg9 : memref<128x128xf32, #tpu.memory_space<vmem>>) target(%dma_start3A_33 : memref<128x128xf32, #tpu.memory_space<vmem_shared>>) target_semaphore(%run_scoped3A : memref<!tpu.dma_semaphore, #tpu.memory_space<semaphore_mem>>)
      %dma_wait3A = arith.constant 0 : i32
      %dma_wait3A_34 = tpu.memref_slice %arg10[%add3A_8, %dma_wait3A] : memref<10240x128xf32, #tpu.memory_space<vmem_shared>> -> memref<128x128xf32, #tpu.memory_space<vmem_shared>>
      %dma_wait3A_35 = arith.constant 0 : i32
      %dma_wait3A_36 = tpu.memref_slice %arg10[%add3A_8, %dma_wait3A_35] : memref<10240x128xf32, #tpu.memory_space<vmem_shared>> -> memref<128x128xf32, #tpu.memory_space<vmem_shared>>
      tpu.wait_dma2 semaphore(%run_scoped3A : memref<!tpu.dma_semaphore, #tpu.memory_space<semaphore_mem>>) src(%arg9 : memref<128x128xf32, #tpu.memory_space<vmem>>) dst(%dma_wait3A_36 : memref<128x128xf32, #tpu.memory_space<vmem_shared>>)
      tpu.yield
    }) : () -> ()
    %mul3A_9 = arith.constant 640 : i32
    %mul3A_10 = arith.muli %arg1, %mul3A_9 : i32
    %add3A_11 = arith.constant 256 : i32
    %add3A_12 = arith.addi %mul3A_10, %add3A_11 : i32
    "tpu.region"() ({
      %run_scoped3A = tpu.sem_alloc : memref<!tpu.dma_semaphore, #tpu.memory_space<semaphore_mem>>
      %dma_start3A = arith.constant 0 : i32
      %dma_start3A_31 = tpu.memref_slice %arg10[%add3A_12, %dma_start3A] : memref<10240x128xf32, #tpu.memory_space<vmem_shared>> -> memref<128x128xf32, #tpu.memory_space<vmem_shared>>
      %dma_start3A_32 = arith.constant 0 : i32
      %dma_start3A_33 = tpu.memref_slice %arg10[%add3A_12, %dma_start3A_32] : memref<10240x128xf32, #tpu.memory_space<vmem_shared>> -> memref<128x128xf32, #tpu.memory_space<vmem_shared>>
      tpu.enqueue_dma source(%arg9 : memref<128x128xf32, #tpu.memory_space<vmem>>) target(%dma_start3A_33 : memref<128x128xf32, #tpu.memory_space<vmem_shared>>) target_semaphore(%run_scoped3A : memref<!tpu.dma_semaphore, #tpu.memory_space<semaphore_mem>>)
      %dma_wait3A = arith.constant 0 : i32
      %dma_wait3A_34 = tpu.memref_slice %arg10[%add3A_12, %dma_wait3A] : memref<10240x128xf32, #tpu.memory_space<vmem_shared>> -> memref<128x128xf32, #tpu.memory_space<vmem_shared>>
      %dma_wait3A_35 = arith.constant 0 : i32
      %dma_wait3A_36 = tpu.memref_slice %arg10[%add3A_12, %dma_wait3A_35] : memref<10240x128xf32, #tpu.memory_space<vmem_shared>> -> memref<128x128xf32, #tpu.memory_space<vmem_shared>>
      tpu.wait_dma2 semaphore(%run_scoped3A : memref<!tpu.dma_semaphore, #tpu.memory_space<semaphore_mem>>) src(%arg9 : memref<128x128xf32, #tpu.memory_space<vmem>>) dst(%dma_wait3A_36 : memref<128x128xf32, #tpu.memory_space<vmem_shared>>)
      tpu.yield
    }) : () -> ()
    %mul3A_13 = arith.constant 640 : i32
    %mul3A_14 = arith.muli %arg1, %mul3A_13 : i32
    %add3A_15 = arith.constant 384 : i32
    %add3A_16 = arith.addi %mul3A_14, %add3A_15 : i32
    "tpu.region"() ({
      %run_scoped3A = tpu.sem_alloc : memref<!tpu.dma_semaphore, #tpu.memory_space<semaphore_mem>>
      %dma_start3A = arith.constant 0 : i32
      %dma_start3A_31 = tpu.memref_slice %arg10[%add3A_16, %dma_start3A] : memref<10240x128xf32, #tpu.memory_space<vmem_shared>> -> memref<128x128xf32, #tpu.memory_space<vmem_shared>>
      %dma_start3A_32 = arith.constant 0 : i32
      %dma_start3A_33 = tpu.memref_slice %arg10[%add3A_16, %dma_start3A_32] : memref<10240x128xf32, #tpu.memory_space<vmem_shared>> -> memref<128x128xf32, #tpu.memory_space<vmem_shared>>
      tpu.enqueue_dma source(%arg9 : memref<128x128xf32, #tpu.memory_space<vmem>>) target(%dma_start3A_33 : memref<128x128xf32, #tpu.memory_space<vmem_shared>>) target_semaphore(%run_scoped3A : memref<!tpu.dma_semaphore, #tpu.memory_space<semaphore_mem>>)
      %dma_wait3A = arith.constant 0 : i32
      %dma_wait3A_34 = tpu.memref_slice %arg10[%add3A_16, %dma_wait3A] : memref<10240x128xf32, #tpu.memory_space<vmem_shared>> -> memref<128x128xf32, #tpu.memory_space<vmem_shared>>
      %dma_wait3A_35 = arith.constant 0 : i32
      %dma_wait3A_36 = tpu.memref_slice %arg10[%add3A_16, %dma_wait3A_35] : memref<10240x128xf32, #tpu.memory_space<vmem_shared>> -> memref<128x128xf32, #tpu.memory_space<vmem_shared>>
      tpu.wait_dma2 semaphore(%run_scoped3A : memref<!tpu.dma_semaphore, #tpu.memory_space<semaphore_mem>>) src(%arg9 : memref<128x128xf32, #tpu.memory_space<vmem>>) dst(%dma_wait3A_36 : memref<128x128xf32, #tpu.memory_space<vmem_shared>>)
      tpu.yield
    }) : () -> ()
    %mul3A_17 = arith.constant 640 : i32
    %mul3A_18 = arith.muli %arg1, %mul3A_17 : i32
    %add3A_19 = arith.constant 512 : i32
    %add3A_20 = arith.addi %mul3A_18, %add3A_19 : i32
    "tpu.region"() ({
      %run_scoped3A = tpu.sem_alloc : memref<!tpu.dma_semaphore, #tpu.memory_space<semaphore_mem>>
      %dma_start3A = arith.constant 0 : i32
      %dma_start3A_31 = tpu.memref_slice %arg10[%add3A_20, %dma_start3A] : memref<10240x128xf32, #tpu.memory_space<vmem_shared>> -> memref<128x128xf32, #tpu.memory_space<vmem_shared>>
      %dma_start3A_32 = arith.constant 0 : i32
      %dma_start3A_33 = tpu.memref_slice %arg10[%add3A_20, %dma_start3A_32] : memref<10240x128xf32, #tpu.memory_space<vmem_shared>> -> memref<128x128xf32, #tpu.memory_space<vmem_shared>>
      tpu.enqueue_dma source(%arg9 : memref<128x128xf32, #tpu.memory_space<vmem>>) target(%dma_start3A_33 : memref<128x128xf32, #tpu.memory_space<vmem_shared>>) target_semaphore(%run_scoped3A : memref<!tpu.dma_semaphore, #tpu.memory_space<semaphore_mem>>)
      %dma_wait3A = arith.constant 0 : i32
      %dma_wait3A_34 = tpu.memref_slice %arg10[%add3A_20, %dma_wait3A] : memref<10240x128xf32, #tpu.memory_space<vmem_shared>> -> memref<128x128xf32, #tpu.memory_space<vmem_shared>>
      %dma_wait3A_35 = arith.constant 0 : i32
      %dma_wait3A_36 = tpu.memref_slice %arg10[%add3A_20, %dma_wait3A_35] : memref<10240x128xf32, #tpu.memory_space<vmem_shared>> -> memref<128x128xf32, #tpu.memory_space<vmem_shared>>
      tpu.wait_dma2 semaphore(%run_scoped3A : memref<!tpu.dma_semaphore, #tpu.memory_space<semaphore_mem>>) src(%arg9 : memref<128x128xf32, #tpu.memory_space<vmem>>) dst(%dma_wait3A_36 : memref<128x128xf32, #tpu.memory_space<vmem_shared>>)
      tpu.yield
    }) : () -> ()
    %barrier3A = arith.constant 0 : index
    tpu.barrier barrier_id(%barrier3A)
    %scan3A = arith.constant 0 : i32
    %scan3A_21 = arith.constant 0 : i32
    %scan3A_22 = arith.constant 79 : i32
    %scan3A_23 = arith.addi %scan3A_21, %scan3A_22 : i32
    %scan3A_24 = arith.constant 1 : i32
    scf.for %scan3A_31 = %scan3A_21 to %scan3A_23 step %scan3A_24  : i32 {
      %dma_start3A = arith.constant 0 : i32
      %dma_start3A_32 = tpu.memref_slice %arg7[%scan3A_31, %dma_start3A] : memref<79x128xi32, #tpu.memory_space<vmem>> -> memref<1x128xi32, #tpu.memory_space<vmem>>
      %dma_start3A_33 = tpu.memref_squeeze %dma_start3A_32 : memref<1x128xi32, #tpu.memory_space<vmem>> -> memref<128xi32, #tpu.memory_space<vmem>>
      %dma_start3A_34 = arith.constant 0 : i32
      %dma_start3A_35 = arith.constant 0 : i32
      %dma_start3A_36 = tpu.memref_slice %arg2[%dma_start3A_34, %dma_start3A_35] : memref<10240x128xf32, #tpu.memory_space<hbm>> -> memref<10240x128xf32, #tpu.memory_space<hbm>>
      tpu.enqueue_indirect_dma source(%dma_start3A_36 : memref<10240x128xf32, #tpu.memory_space<hbm>>) target(%arg9 : memref<128x128xf32, #tpu.memory_space<vmem>>) offsets(%dma_start3A_33 : memref<128xi32, #tpu.memory_space<vmem>>) semaphore(%arg11 : memref<!tpu.dma_semaphore, #tpu.memory_space<semaphore_mem>>)
      %dma_wait3A = arith.constant 0 : i32
      %dma_wait3A_37 = tpu.memref_slice %arg7[%scan3A_31, %dma_wait3A] : memref<79x128xi32, #tpu.memory_space<vmem>> -> memref<1x128xi32, #tpu.memory_space<vmem>>
      %dma_wait3A_38 = tpu.memref_squeeze %dma_wait3A_37 : memref<1x128xi32, #tpu.memory_space<vmem>> -> memref<128xi32, #tpu.memory_space<vmem>>
      %dma_wait3A_39 = arith.constant 0 : i32
      %dma_wait3A_40 = arith.constant 0 : i32
      %dma_wait3A_41 = tpu.memref_slice %arg2[%dma_wait3A_39, %dma_wait3A_40] : memref<10240x128xf32, #tpu.memory_space<hbm>> -> memref<10240x128xf32, #tpu.memory_space<hbm>>
      tpu.wait_indirect_dma semaphore(%arg11 : memref<!tpu.dma_semaphore, #tpu.memory_space<semaphore_mem>>) src(%dma_wait3A_41 : memref<10240x128xf32, #tpu.memory_space<hbm>>) dst(%arg9 : memref<128x128xf32, #tpu.memory_space<vmem>>)
      "tpu.region"() ({
        %run_scoped3A = tpu.sem_alloc : memref<!tpu.dma_semaphore, #tpu.memory_space<semaphore_mem>>
        %dma_start3A_42 = arith.constant 0 : i32
        %dma_start3A_43 = tpu.memref_slice %arg8[%scan3A_31, %dma_start3A_42] : memref<79x128xi32, #tpu.memory_space<vmem>> -> memref<1x128xi32, #tpu.memory_space<vmem>>
        %dma_start3A_44 = tpu.memref_squeeze %dma_start3A_43 : memref<1x128xi32, #tpu.memory_space<vmem>> -> memref<128xi32, #tpu.memory_space<vmem>>
        %dma_start3A_45 = arith.constant 0 : i32
        %dma_start3A_46 = arith.constant 0 : i32
        %dma_start3A_47 = tpu.memref_slice %arg10[%dma_start3A_45, %dma_start3A_46] : memref<10240x128xf32, #tpu.memory_space<vmem_shared>> -> memref<10240x128xf32, #tpu.memory_space<vmem_shared>>
        tpu.enqueue_indirect_dma source(%arg9 : memref<128x128xf32, #tpu.memory_space<vmem>>) target(%dma_start3A_47 : memref<10240x128xf32, #tpu.memory_space<vmem_shared>>) offsets(%dma_start3A_44 : memref<128xi32, #tpu.memory_space<vmem>>) semaphore(%run_scoped3A : memref<!tpu.dma_semaphore, #tpu.memory_space<semaphore_mem>>) {add = true}
        %dma_wait3A_48 = arith.constant 0 : i32
        %dma_wait3A_49 = tpu.memref_slice %arg8[%scan3A_31, %dma_wait3A_48] : memref<79x128xi32, #tpu.memory_space<vmem>> -> memref<1x128xi32, #tpu.memory_space<vmem>>
        %dma_wait3A_50 = tpu.memref_squeeze %dma_wait3A_49 : memref<1x128xi32, #tpu.memory_space<vmem>> -> memref<128xi32, #tpu.memory_space<vmem>>
        %dma_wait3A_51 = arith.constant 0 : i32
        %dma_wait3A_52 = arith.constant 0 : i32
        %dma_wait3A_53 = tpu.memref_slice %arg10[%dma_wait3A_51, %dma_wait3A_52] : memref<10240x128xf32, #tpu.memory_space<vmem_shared>> -> memref<10240x128xf32, #tpu.memory_space<vmem_shared>>
        tpu.wait_indirect_dma semaphore(%run_scoped3A : memref<!tpu.dma_semaphore, #tpu.memory_space<semaphore_mem>>) src(%arg9 : memref<128x128xf32, #tpu.memory_space<vmem>>) dst(%dma_wait3A_53 : memref<10240x128xf32, #tpu.memory_space<vmem_shared>>)
        tpu.yield
      }) : () -> ()
    }
    %scan3A_25 = arith.constant 79 : i32
    %barrier3A_26 = arith.constant 0 : index
    tpu.barrier barrier_id(%barrier3A_26)
    %mul3A_27 = arith.constant 640 : i32
    %mul3A_28 = arith.muli %arg1, %mul3A_27 : i32
    %mul3A_29 = arith.constant 640 : i32
    %mul3A_30 = arith.muli %arg1, %mul3A_29 : i32
    "tpu.region"() ({
      %run_scoped3A = tpu.sem_alloc : memref<!tpu.dma_semaphore, #tpu.memory_space<semaphore_mem>>
      %dma_start3A = arith.constant 0 : i32
      %dma_start3A_31 = tpu.memref_slice %arg6[%arg0, %mul3A_30, %dma_start3A] : memref<2x10240x128xf32, #tpu.memory_space<hbm>> -> memref<1x640x128xf32, #tpu.memory_space<hbm>>
      %dma_start3A_32 = tpu.memref_squeeze %dma_start3A_31 : memref<1x640x128xf32, #tpu.memory_space<hbm>> -> memref<640x128xf32, #tpu.memory_space<hbm>>
      %dma_start3A_33 = arith.constant 0 : i32
      %dma_start3A_34 = tpu.memref_slice %arg10[%mul3A_28, %dma_start3A_33] : memref<10240x128xf32, #tpu.memory_space<vmem_shared>> -> memref<640x128xf32, #tpu.memory_space<vmem_shared>>
      tpu.enqueue_dma source(%dma_start3A_34 : memref<640x128xf32, #tpu.memory_space<vmem_shared>>) target(%dma_start3A_32 : memref<640x128xf32, #tpu.memory_space<hbm>>) target_semaphore(%run_scoped3A : memref<!tpu.dma_semaphore, #tpu.memory_space<semaphore_mem>>)
      %dma_wait3A = arith.constant 0 : i32
      %dma_wait3A_35 = tpu.memref_slice %arg6[%arg0, %mul3A_30, %dma_wait3A] : memref<2x10240x128xf32, #tpu.memory_space<hbm>> -> memref<1x640x128xf32, #tpu.memory_space<hbm>>
      %dma_wait3A_36 = tpu.memref_squeeze %dma_wait3A_35 : memref<1x640x128xf32, #tpu.memory_space<hbm>> -> memref<640x128xf32, #tpu.memory_space<hbm>>
      %dma_wait3A_37 = arith.constant 0 : i32
      %dma_wait3A_38 = tpu.memref_slice %arg10[%mul3A_28, %dma_wait3A_37] : memref<10240x128xf32, #tpu.memory_space<vmem_shared>> -> memref<640x128xf32, #tpu.memory_space<vmem_shared>>
      tpu.wait_dma2 semaphore(%run_scoped3A : memref<!tpu.dma_semaphore, #tpu.memory_space<semaphore_mem>>) src(%dma_wait3A_38 : memref<640x128xf32, #tpu.memory_space<vmem_shared>>) dst(%dma_wait3A_36 : memref<640x128xf32, #tpu.memory_space<hbm>>)
      tpu.yield
    }) : () -> ()
    return
  }
}

#map = affine_map<(d0, d1) -> (0, 0)>
#map1 = affine_map<(d0, d1) -> (0, 0, 0)>
module attributes {stable_mosaic.version = 14 : i64} {
  func.func @pass_kernel(%arg0: i32, %arg1: i32, %arg2: memref<10240x128xf32, #tpu.memory_space<hbm>>, %arg3: memref<32x79x128xi32, #tpu.memory_space<hbm>>, %arg4: memref<32x79x128xi32, #tpu.memory_space<hbm>>, %arg5: memref<128x128xf32, #tpu.memory_space<hbm>>, %arg6: memref<2x10240x128xf32, #tpu.memory_space<hbm>>, %arg7: memref<79x128xi32, #tpu.memory_space<vmem>>, %arg8: memref<79x128xi32, #tpu.memory_space<vmem>>, %arg9: memref<128x128xf32, #tpu.memory_space<vmem>>, %arg10: memref<10240x128xf32, #tpu.memory_space<vmem_shared>>, %arg11: memref<!tpu.dma_semaphore, #tpu.memory_space<semaphore_mem>>) attributes {dimension_semantics = [#tpu.dimension_semantics<core_parallel>, #tpu.dimension_semantics<subcore_parallel>], iteration_bounds = array<i64: 2, 16>, scalar_prefetch = 0 : i64, scratch_operands = 5 : i64, tpu.core_type = #tpu.core_type<sc_vector_subcore>, window_params = [{transform_indices = #map}, {transform_indices = #map1}, {transform_indices = #map1}, {transform_indices = #map}, {transform_indices = #map1}]} {
    %mul3A = arith.constant 16 : i32
    %mul3A_0 = arith.muli %arg0, %mul3A : i32
    %add3A = arith.addi %mul3A_0, %arg1 : i32
    "tpu.region"() ({
      %run_scoped3A = tpu.sem_alloc : memref<!tpu.dma_semaphore, #tpu.memory_space<semaphore_mem>>
      %dma_start3A = arith.constant 0 : i32
      %dma_start3A_31 = arith.constant 0 : i32
      %dma_start3A_32 = tpu.memref_slice %arg3[%add3A, %dma_start3A, %dma_start3A_31] : memref<32x79x128xi32, #tpu.memory_space<hbm>> -> memref<1x79x128xi32, #tpu.memory_space<hbm>>
      %dma_start3A_33 = tpu.memref_squeeze %dma_start3A_32 : memref<1x79x128xi32, #tpu.memory_space<hbm>> -> memref<79x128xi32, #tpu.memory_space<hbm>>
      %dma_start3A_34 = arith.constant 0 : i32
      %dma_start3A_35 = arith.constant 0 : i32
      %dma_start3A_36 = tpu.memref_slice %arg3[%add3A, %dma_start3A_34, %dma_start3A_35] : memref<32x79x128xi32, #tpu.memory_space<hbm>> -> memref<1x79x128xi32, #tpu.memory_space<hbm>>
      %dma_start3A_37 = tpu.memref_squeeze %dma_start3A_36 : memref<1x79x128xi32, #tpu.memory_space<hbm>> -> memref<79x128xi32, #tpu.memory_space<hbm>>
      tpu.enqueue_dma source(%dma_start3A_37 : memref<79x128xi32, #tpu.memory_space<hbm>>) target(%arg7 : memref<79x128xi32, #tpu.memory_space<vmem>>) target_semaphore(%run_scoped3A : memref<!tpu.dma_semaphore, #tpu.memory_space<semaphore_mem>>)
      %dma_wait3A = arith.constant 0 : i32
      %dma_wait3A_38 = arith.constant 0 : i32
      %dma_wait3A_39 = tpu.memref_slice %arg3[%add3A, %dma_wait3A, %dma_wait3A_38] : memref<32x79x128xi32, #tpu.memory_space<hbm>> -> memref<1x79x128xi32, #tpu.memory_space<hbm>>
      %dma_wait3A_40 = tpu.memref_squeeze %dma_wait3A_39 : memref<1x79x128xi32, #tpu.memory_space<hbm>> -> memref<79x128xi32, #tpu.memory_space<hbm>>
      %dma_wait3A_41 = arith.constant 0 : i32
      %dma_wait3A_42 = arith.constant 0 : i32
      %dma_wait3A_43 = tpu.memref_slice %arg3[%add3A, %dma_wait3A_41, %dma_wait3A_42] : memref<32x79x128xi32, #tpu.memory_space<hbm>> -> memref<1x79x128xi32, #tpu.memory_space<hbm>>
      %dma_wait3A_44 = tpu.memref_squeeze %dma_wait3A_43 : memref<1x79x128xi32, #tpu.memory_space<hbm>> -> memref<79x128xi32, #tpu.memory_space<hbm>>
      tpu.wait_dma2 semaphore(%run_scoped3A : memref<!tpu.dma_semaphore, #tpu.memory_space<semaphore_mem>>) src(%dma_wait3A_44 : memref<79x128xi32, #tpu.memory_space<hbm>>) dst(%arg7 : memref<79x128xi32, #tpu.memory_space<vmem>>)
      tpu.yield
    }) : () -> ()
    "tpu.region"() ({
      %run_scoped3A = tpu.sem_alloc : memref<!tpu.dma_semaphore, #tpu.memory_space<semaphore_mem>>
      %dma_start3A = arith.constant 0 : i32
      %dma_start3A_31 = arith.constant 0 : i32
      %dma_start3A_32 = tpu.memref_slice %arg4[%add3A, %dma_start3A, %dma_start3A_31] : memref<32x79x128xi32, #tpu.memory_space<hbm>> -> memref<1x79x128xi32, #tpu.memory_space<hbm>>
      %dma_start3A_33 = tpu.memref_squeeze %dma_start3A_32 : memref<1x79x128xi32, #tpu.memory_space<hbm>> -> memref<79x128xi32, #tpu.memory_space<hbm>>
      %dma_start3A_34 = arith.constant 0 : i32
      %dma_start3A_35 = arith.constant 0 : i32
      %dma_start3A_36 = tpu.memref_slice %arg4[%add3A, %dma_start3A_34, %dma_start3A_35] : memref<32x79x128xi32, #tpu.memory_space<hbm>> -> memref<1x79x128xi32, #tpu.memory_space<hbm>>
      %dma_start3A_37 = tpu.memref_squeeze %dma_start3A_36 : memref<1x79x128xi32, #tpu.memory_space<hbm>> -> memref<79x128xi32, #tpu.memory_space<hbm>>
      tpu.enqueue_dma source(%dma_start3A_37 : memref<79x128xi32, #tpu.memory_space<hbm>>) target(%arg8 : memref<79x128xi32, #tpu.memory_space<vmem>>) target_semaphore(%run_scoped3A : memref<!tpu.dma_semaphore, #tpu.memory_space<semaphore_mem>>)
      %dma_wait3A = arith.constant 0 : i32
      %dma_wait3A_38 = arith.constant 0 : i32
      %dma_wait3A_39 = tpu.memref_slice %arg4[%add3A, %dma_wait3A, %dma_wait3A_38] : memref<32x79x128xi32, #tpu.memory_space<hbm>> -> memref<1x79x128xi32, #tpu.memory_space<hbm>>
      %dma_wait3A_40 = tpu.memref_squeeze %dma_wait3A_39 : memref<1x79x128xi32, #tpu.memory_space<hbm>> -> memref<79x128xi32, #tpu.memory_space<hbm>>
      %dma_wait3A_41 = arith.constant 0 : i32
      %dma_wait3A_42 = arith.constant 0 : i32
      %dma_wait3A_43 = tpu.memref_slice %arg4[%add3A, %dma_wait3A_41, %dma_wait3A_42] : memref<32x79x128xi32, #tpu.memory_space<hbm>> -> memref<1x79x128xi32, #tpu.memory_space<hbm>>
      %dma_wait3A_44 = tpu.memref_squeeze %dma_wait3A_43 : memref<1x79x128xi32, #tpu.memory_space<hbm>> -> memref<79x128xi32, #tpu.memory_space<hbm>>
      tpu.wait_dma2 semaphore(%run_scoped3A : memref<!tpu.dma_semaphore, #tpu.memory_space<semaphore_mem>>) src(%dma_wait3A_44 : memref<79x128xi32, #tpu.memory_space<hbm>>) dst(%arg8 : memref<79x128xi32, #tpu.memory_space<vmem>>)
      tpu.yield
    }) : () -> ()
    "tpu.region"() ({
      %run_scoped3A = tpu.sem_alloc : memref<!tpu.dma_semaphore, #tpu.memory_space<semaphore_mem>>
      tpu.enqueue_dma source(%arg5 : memref<128x128xf32, #tpu.memory_space<hbm>>) target(%arg9 : memref<128x128xf32, #tpu.memory_space<vmem>>) target_semaphore(%run_scoped3A : memref<!tpu.dma_semaphore, #tpu.memory_space<semaphore_mem>>)
      tpu.wait_dma2 semaphore(%run_scoped3A : memref<!tpu.dma_semaphore, #tpu.memory_space<semaphore_mem>>) src(%arg5 : memref<128x128xf32, #tpu.memory_space<hbm>>) dst(%arg9 : memref<128x128xf32, #tpu.memory_space<vmem>>)
      tpu.yield
    }) : () -> ()
    %mul3A_1 = arith.constant 640 : i32
    %mul3A_2 = arith.muli %arg1, %mul3A_1 : i32
    %add3A_3 = arith.constant 0 : i32
    %add3A_4 = arith.addi %mul3A_2, %add3A_3 : i32
    "tpu.region"() ({
      %run_scoped3A = tpu.sem_alloc : memref<!tpu.dma_semaphore, #tpu.memory_space<semaphore_mem>>
      %dma_start3A = arith.constant 0 : i32
      %dma_start3A_31 = tpu.memref_slice %arg10[%add3A_4, %dma_start3A] : memref<10240x128xf32, #tpu.memory_space<vmem_shared>> -> memref<128x128xf32, #tpu.memory_space<vmem_shared>>
      %dma_start3A_32 = arith.constant 0 : i32
      %dma_start3A_33 = tpu.memref_slice %arg10[%add3A_4, %dma_start3A_32] : memref<10240x128xf32, #tpu.memory_space<vmem_shared>> -> memref<128x128xf32, #tpu.memory_space<vmem_shared>>
      tpu.enqueue_dma source(%arg9 : memref<128x128xf32, #tpu.memory_space<vmem>>) target(%dma_start3A_33 : memref<128x128xf32, #tpu.memory_space<vmem_shared>>) target_semaphore(%run_scoped3A : memref<!tpu.dma_semaphore, #tpu.memory_space<semaphore_mem>>)
      %dma_wait3A = arith.constant 0 : i32
      %dma_wait3A_34 = tpu.memref_slice %arg10[%add3A_4, %dma_wait3A] : memref<10240x128xf32, #tpu.memory_space<vmem_shared>> -> memref<128x128xf32, #tpu.memory_space<vmem_shared>>
      %dma_wait3A_35 = arith.constant 0 : i32
      %dma_wait3A_36 = tpu.memref_slice %arg10[%add3A_4, %dma_wait3A_35] : memref<10240x128xf32, #tpu.memory_space<vmem_shared>> -> memref<128x128xf32, #tpu.memory_space<vmem_shared>>
      tpu.wait_dma2 semaphore(%run_scoped3A : memref<!tpu.dma_semaphore, #tpu.memory_space<semaphore_mem>>) src(%arg9 : memref<128x128xf32, #tpu.memory_space<vmem>>) dst(%dma_wait3A_36 : memref<128x128xf32, #tpu.memory_space<vmem_shared>>)
      tpu.yield
    }) : () -> ()
    %mul3A_5 = arith.constant 640 : i32
    %mul3A_6 = arith.muli %arg1, %mul3A_5 : i32
    %add3A_7 = arith.constant 128 : i32
    %add3A_8 = arith.addi %mul3A_6, %add3A_7 : i32
    "tpu.region"() ({
      %run_scoped3A = tpu.sem_alloc : memref<!tpu.dma_semaphore, #tpu.memory_space<semaphore_mem>>
      %dma_start3A = arith.constant 0 : i32
      %dma_start3A_31 = tpu.memref_slice %arg10[%add3A_8, %dma_start3A] : memref<10240x128xf32, #tpu.memory_space<vmem_shared>> -> memref<128x128xf32, #tpu.memory_space<vmem_shared>>
      %dma_start3A_32 = arith.constant 0 : i32
      %dma_start3A_33 = tpu.memref_slice %arg10[%add3A_8, %dma_start3A_32] : memref<10240x128xf32, #tpu.memory_space<vmem_shared>> -> memref<128x128xf32, #tpu.memory_space<vmem_shared>>
      tpu.enqueue_dma source(%arg9 : memref<128x128xf32, #tpu.memory_space<vmem>>) target(%dma_start3A_33 : memref<128x128xf32, #tpu.memory_space<vmem_shared>>) target_semaphore(%run_scoped3A : memref<!tpu.dma_semaphore, #tpu.memory_space<semaphore_mem>>)
      %dma_wait3A = arith.constant 0 : i32
      %dma_wait3A_34 = tpu.memref_slice %arg10[%add3A_8, %dma_wait3A] : memref<10240x128xf32, #tpu.memory_space<vmem_shared>> -> memref<128x128xf32, #tpu.memory_space<vmem_shared>>
      %dma_wait3A_35 = arith.constant 0 : i32
      %dma_wait3A_36 = tpu.memref_slice %arg10[%add3A_8, %dma_wait3A_35] : memref<10240x128xf32, #tpu.memory_space<vmem_shared>> -> memref<128x128xf32, #tpu.memory_space<vmem_shared>>
      tpu.wait_dma2 semaphore(%run_scoped3A : memref<!tpu.dma_semaphore, #tpu.memory_space<semaphore_mem>>) src(%arg9 : memref<128x128xf32, #tpu.memory_space<vmem>>) dst(%dma_wait3A_36 : memref<128x128xf32, #tpu.memory_space<vmem_shared>>)
      tpu.yield
    }) : () -> ()
    %mul3A_9 = arith.constant 640 : i32
    %mul3A_10 = arith.muli %arg1, %mul3A_9 : i32
    %add3A_11 = arith.constant 256 : i32
    %add3A_12 = arith.addi %mul3A_10, %add3A_11 : i32
    "tpu.region"() ({
      %run_scoped3A = tpu.sem_alloc : memref<!tpu.dma_semaphore, #tpu.memory_space<semaphore_mem>>
      %dma_start3A = arith.constant 0 : i32
      %dma_start3A_31 = tpu.memref_slice %arg10[%add3A_12, %dma_start3A] : memref<10240x128xf32, #tpu.memory_space<vmem_shared>> -> memref<128x128xf32, #tpu.memory_space<vmem_shared>>
      %dma_start3A_32 = arith.constant 0 : i32
      %dma_start3A_33 = tpu.memref_slice %arg10[%add3A_12, %dma_start3A_32] : memref<10240x128xf32, #tpu.memory_space<vmem_shared>> -> memref<128x128xf32, #tpu.memory_space<vmem_shared>>
      tpu.enqueue_dma source(%arg9 : memref<128x128xf32, #tpu.memory_space<vmem>>) target(%dma_start3A_33 : memref<128x128xf32, #tpu.memory_space<vmem_shared>>) target_semaphore(%run_scoped3A : memref<!tpu.dma_semaphore, #tpu.memory_space<semaphore_mem>>)
      %dma_wait3A = arith.constant 0 : i32
      %dma_wait3A_34 = tpu.memref_slice %arg10[%add3A_12, %dma_wait3A] : memref<10240x128xf32, #tpu.memory_space<vmem_shared>> -> memref<128x128xf32, #tpu.memory_space<vmem_shared>>
      %dma_wait3A_35 = arith.constant 0 : i32
      %dma_wait3A_36 = tpu.memref_slice %arg10[%add3A_12, %dma_wait3A_35] : memref<10240x128xf32, #tpu.memory_space<vmem_shared>> -> memref<128x128xf32, #tpu.memory_space<vmem_shared>>
      tpu.wait_dma2 semaphore(%run_scoped3A : memref<!tpu.dma_semaphore, #tpu.memory_space<semaphore_mem>>) src(%arg9 : memref<128x128xf32, #tpu.memory_space<vmem>>) dst(%dma_wait3A_36 : memref<128x128xf32, #tpu.memory_space<vmem_shared>>)
      tpu.yield
    }) : () -> ()
    %mul3A_13 = arith.constant 640 : i32
    %mul3A_14 = arith.muli %arg1, %mul3A_13 : i32
    %add3A_15 = arith.constant 384 : i32
    %add3A_16 = arith.addi %mul3A_14, %add3A_15 : i32
    "tpu.region"() ({
      %run_scoped3A = tpu.sem_alloc : memref<!tpu.dma_semaphore, #tpu.memory_space<semaphore_mem>>
      %dma_start3A = arith.constant 0 : i32
      %dma_start3A_31 = tpu.memref_slice %arg10[%add3A_16, %dma_start3A] : memref<10240x128xf32, #tpu.memory_space<vmem_shared>> -> memref<128x128xf32, #tpu.memory_space<vmem_shared>>
      %dma_start3A_32 = arith.constant 0 : i32
      %dma_start3A_33 = tpu.memref_slice %arg10[%add3A_16, %dma_start3A_32] : memref<10240x128xf32, #tpu.memory_space<vmem_shared>> -> memref<128x128xf32, #tpu.memory_space<vmem_shared>>
      tpu.enqueue_dma source(%arg9 : memref<128x128xf32, #tpu.memory_space<vmem>>) target(%dma_start3A_33 : memref<128x128xf32, #tpu.memory_space<vmem_shared>>) target_semaphore(%run_scoped3A : memref<!tpu.dma_semaphore, #tpu.memory_space<semaphore_mem>>)
      %dma_wait3A = arith.constant 0 : i32
      %dma_wait3A_34 = tpu.memref_slice %arg10[%add3A_16, %dma_wait3A] : memref<10240x128xf32, #tpu.memory_space<vmem_shared>> -> memref<128x128xf32, #tpu.memory_space<vmem_shared>>
      %dma_wait3A_35 = arith.constant 0 : i32
      %dma_wait3A_36 = tpu.memref_slice %arg10[%add3A_16, %dma_wait3A_35] : memref<10240x128xf32, #tpu.memory_space<vmem_shared>> -> memref<128x128xf32, #tpu.memory_space<vmem_shared>>
      tpu.wait_dma2 semaphore(%run_scoped3A : memref<!tpu.dma_semaphore, #tpu.memory_space<semaphore_mem>>) src(%arg9 : memref<128x128xf32, #tpu.memory_space<vmem>>) dst(%dma_wait3A_36 : memref<128x128xf32, #tpu.memory_space<vmem_shared>>)
      tpu.yield
    }) : () -> ()
    %mul3A_17 = arith.constant 640 : i32
    %mul3A_18 = arith.muli %arg1, %mul3A_17 : i32
    %add3A_19 = arith.constant 512 : i32
    %add3A_20 = arith.addi %mul3A_18, %add3A_19 : i32
    "tpu.region"() ({
      %run_scoped3A = tpu.sem_alloc : memref<!tpu.dma_semaphore, #tpu.memory_space<semaphore_mem>>
      %dma_start3A = arith.constant 0 : i32
      %dma_start3A_31 = tpu.memref_slice %arg10[%add3A_20, %dma_start3A] : memref<10240x128xf32, #tpu.memory_space<vmem_shared>> -> memref<128x128xf32, #tpu.memory_space<vmem_shared>>
      %dma_start3A_32 = arith.constant 0 : i32
      %dma_start3A_33 = tpu.memref_slice %arg10[%add3A_20, %dma_start3A_32] : memref<10240x128xf32, #tpu.memory_space<vmem_shared>> -> memref<128x128xf32, #tpu.memory_space<vmem_shared>>
      tpu.enqueue_dma source(%arg9 : memref<128x128xf32, #tpu.memory_space<vmem>>) target(%dma_start3A_33 : memref<128x128xf32, #tpu.memory_space<vmem_shared>>) target_semaphore(%run_scoped3A : memref<!tpu.dma_semaphore, #tpu.memory_space<semaphore_mem>>)
      %dma_wait3A = arith.constant 0 : i32
      %dma_wait3A_34 = tpu.memref_slice %arg10[%add3A_20, %dma_wait3A] : memref<10240x128xf32, #tpu.memory_space<vmem_shared>> -> memref<128x128xf32, #tpu.memory_space<vmem_shared>>
      %dma_wait3A_35 = arith.constant 0 : i32
      %dma_wait3A_36 = tpu.memref_slice %arg10[%add3A_20, %dma_wait3A_35] : memref<10240x128xf32, #tpu.memory_space<vmem_shared>> -> memref<128x128xf32, #tpu.memory_space<vmem_shared>>
      tpu.wait_dma2 semaphore(%run_scoped3A : memref<!tpu.dma_semaphore, #tpu.memory_space<semaphore_mem>>) src(%arg9 : memref<128x128xf32, #tpu.memory_space<vmem>>) dst(%dma_wait3A_36 : memref<128x128xf32, #tpu.memory_space<vmem_shared>>)
      tpu.yield
    }) : () -> ()
    %barrier3A = arith.constant 0 : index
    tpu.barrier barrier_id(%barrier3A)
    %scan3A = arith.constant 0 : i32
    %scan3A_21 = arith.constant 0 : i32
    %scan3A_22 = arith.constant 79 : i32
    %scan3A_23 = arith.addi %scan3A_21, %scan3A_22 : i32
    %scan3A_24 = arith.constant 1 : i32
    scf.for %scan3A_31 = %scan3A_21 to %scan3A_23 step %scan3A_24  : i32 {
      %dma_start3A = arith.constant 0 : i32
      %dma_start3A_32 = tpu.memref_slice %arg7[%scan3A_31, %dma_start3A] : memref<79x128xi32, #tpu.memory_space<vmem>> -> memref<1x128xi32, #tpu.memory_space<vmem>>
      %dma_start3A_33 = tpu.memref_squeeze %dma_start3A_32 : memref<1x128xi32, #tpu.memory_space<vmem>> -> memref<128xi32, #tpu.memory_space<vmem>>
      %dma_start3A_34 = arith.constant 0 : i32
      %dma_start3A_35 = arith.constant 0 : i32
      %dma_start3A_36 = tpu.memref_slice %arg2[%dma_start3A_34, %dma_start3A_35] : memref<10240x128xf32, #tpu.memory_space<hbm>> -> memref<10240x128xf32, #tpu.memory_space<hbm>>
      tpu.enqueue_indirect_dma source(%dma_start3A_36 : memref<10240x128xf32, #tpu.memory_space<hbm>>) target(%arg9 : memref<128x128xf32, #tpu.memory_space<vmem>>) offsets(%dma_start3A_33 : memref<128xi32, #tpu.memory_space<vmem>>) semaphore(%arg11 : memref<!tpu.dma_semaphore, #tpu.memory_space<semaphore_mem>>)
      %dma_wait3A = arith.constant 0 : i32
      %dma_wait3A_37 = tpu.memref_slice %arg7[%scan3A_31, %dma_wait3A] : memref<79x128xi32, #tpu.memory_space<vmem>> -> memref<1x128xi32, #tpu.memory_space<vmem>>
      %dma_wait3A_38 = tpu.memref_squeeze %dma_wait3A_37 : memref<1x128xi32, #tpu.memory_space<vmem>> -> memref<128xi32, #tpu.memory_space<vmem>>
      %dma_wait3A_39 = arith.constant 0 : i32
      %dma_wait3A_40 = arith.constant 0 : i32
      %dma_wait3A_41 = tpu.memref_slice %arg2[%dma_wait3A_39, %dma_wait3A_40] : memref<10240x128xf32, #tpu.memory_space<hbm>> -> memref<10240x128xf32, #tpu.memory_space<hbm>>
      tpu.wait_indirect_dma semaphore(%arg11 : memref<!tpu.dma_semaphore, #tpu.memory_space<semaphore_mem>>) src(%dma_wait3A_41 : memref<10240x128xf32, #tpu.memory_space<hbm>>) dst(%arg9 : memref<128x128xf32, #tpu.memory_space<vmem>>)
      "tpu.region"() ({
        %run_scoped3A = tpu.sem_alloc : memref<!tpu.dma_semaphore, #tpu.memory_space<semaphore_mem>>
        %dma_start3A_42 = arith.constant 0 : i32
        %dma_start3A_43 = tpu.memref_slice %arg8[%scan3A_31, %dma_start3A_42] : memref<79x128xi32, #tpu.memory_space<vmem>> -> memref<1x128xi32, #tpu.memory_space<vmem>>
        %dma_start3A_44 = tpu.memref_squeeze %dma_start3A_43 : memref<1x128xi32, #tpu.memory_space<vmem>> -> memref<128xi32, #tpu.memory_space<vmem>>
        %dma_start3A_45 = arith.constant 0 : i32
        %dma_start3A_46 = arith.constant 0 : i32
        %dma_start3A_47 = tpu.memref_slice %arg10[%dma_start3A_45, %dma_start3A_46] : memref<10240x128xf32, #tpu.memory_space<vmem_shared>> -> memref<10240x128xf32, #tpu.memory_space<vmem_shared>>
        tpu.enqueue_indirect_dma source(%arg9 : memref<128x128xf32, #tpu.memory_space<vmem>>) target(%dma_start3A_47 : memref<10240x128xf32, #tpu.memory_space<vmem_shared>>) offsets(%dma_start3A_44 : memref<128xi32, #tpu.memory_space<vmem>>) semaphore(%run_scoped3A : memref<!tpu.dma_semaphore, #tpu.memory_space<semaphore_mem>>) {add = true}
        %dma_wait3A_48 = arith.constant 0 : i32
        %dma_wait3A_49 = tpu.memref_slice %arg8[%scan3A_31, %dma_wait3A_48] : memref<79x128xi32, #tpu.memory_space<vmem>> -> memref<1x128xi32, #tpu.memory_space<vmem>>
        %dma_wait3A_50 = tpu.memref_squeeze %dma_wait3A_49 : memref<1x128xi32, #tpu.memory_space<vmem>> -> memref<128xi32, #tpu.memory_space<vmem>>
        %dma_wait3A_51 = arith.constant 0 : i32
        %dma_wait3A_52 = arith.constant 0 : i32
        %dma_wait3A_53 = tpu.memref_slice %arg10[%dma_wait3A_51, %dma_wait3A_52] : memref<10240x128xf32, #tpu.memory_space<vmem_shared>> -> memref<10240x128xf32, #tpu.memory_space<vmem_shared>>
        tpu.wait_indirect_dma semaphore(%run_scoped3A : memref<!tpu.dma_semaphore, #tpu.memory_space<semaphore_mem>>) src(%arg9 : memref<128x128xf32, #tpu.memory_space<vmem>>) dst(%dma_wait3A_53 : memref<10240x128xf32, #tpu.memory_space<vmem_shared>>)
        tpu.yield
      }) : () -> ()
    }
    %scan3A_25 = arith.constant 79 : i32
    %barrier3A_26 = arith.constant 0 : index
    tpu.barrier barrier_id(%barrier3A_26)
    %mul3A_27 = arith.constant 640 : i32
    %mul3A_28 = arith.muli %arg1, %mul3A_27 : i32
    %mul3A_29 = arith.constant 640 : i32
    %mul3A_30 = arith.muli %arg1, %mul3A_29 : i32
    "tpu.region"() ({
      %run_scoped3A = tpu.sem_alloc : memref<!tpu.dma_semaphore, #tpu.memory_space<semaphore_mem>>
      %dma_start3A = arith.constant 0 : i32
      %dma_start3A_31 = tpu.memref_slice %arg6[%arg0, %mul3A_30, %dma_start3A] : memref<2x10240x128xf32, #tpu.memory_space<hbm>> -> memref<1x640x128xf32, #tpu.memory_space<hbm>>
      %dma_start3A_32 = tpu.memref_squeeze %dma_start3A_31 : memref<1x640x128xf32, #tpu.memory_space<hbm>> -> memref<640x128xf32, #tpu.memory_space<hbm>>
      %dma_start3A_33 = arith.constant 0 : i32
      %dma_start3A_34 = tpu.memref_slice %arg10[%mul3A_28, %dma_start3A_33] : memref<10240x128xf32, #tpu.memory_space<vmem_shared>> -> memref<640x128xf32, #tpu.memory_space<vmem_shared>>
      tpu.enqueue_dma source(%dma_start3A_34 : memref<640x128xf32, #tpu.memory_space<vmem_shared>>) target(%dma_start3A_32 : memref<640x128xf32, #tpu.memory_space<hbm>>) target_semaphore(%run_scoped3A : memref<!tpu.dma_semaphore, #tpu.memory_space<semaphore_mem>>)
      %dma_wait3A = arith.constant 0 : i32
      %dma_wait3A_35 = tpu.memref_slice %arg6[%arg0, %mul3A_30, %dma_wait3A] : memref<2x10240x128xf32, #tpu.memory_space<hbm>> -> memref<1x640x128xf32, #tpu.memory_space<hbm>>
      %dma_wait3A_36 = tpu.memref_squeeze %dma_wait3A_35 : memref<1x640x128xf32, #tpu.memory_space<hbm>> -> memref<640x128xf32, #tpu.memory_space<hbm>>
      %dma_wait3A_37 = arith.constant 0 : i32
      %dma_wait3A_38 = tpu.memref_slice %arg10[%mul3A_28, %dma_wait3A_37] : memref<10240x128xf32, #tpu.memory_space<vmem_shared>> -> memref<640x128xf32, #tpu.memory_space<vmem_shared>>
      tpu.wait_dma2 semaphore(%run_scoped3A : memref<!tpu.dma_semaphore, #tpu.memory_space<semaphore_mem>>) src(%dma_wait3A_38 : memref<640x128xf32, #tpu.memory_space<vmem_shared>>) dst(%dma_wait3A_36 : memref<640x128xf32, #tpu.memory_space<hbm>>)
      tpu.yield
    }) : () -> ()
    return
  }
}

#map = affine_map<(d0, d1) -> (0, 0, 0)>
#map1 = affine_map<(d0, d1) -> (0)>
#map2 = affine_map<(d0, d1) -> (0, 0)>
module attributes {stable_mosaic.version = 14 : i64} {
  func.func @deg_kernel(%arg0: i32, %arg1: i32, %arg2: memref<32x79x128xi32, #tpu.memory_space<hbm>>, %arg3: memref<768xf32, #tpu.memory_space<hbm>>, %arg4: memref<2x10240xf32, #tpu.memory_space<hbm>>, %arg5: memref<79x128xi32, #tpu.memory_space<vmem>>, %arg6: memref<768xf32, #tpu.memory_space<vmem>>, %arg7: memref<10240xf32, #tpu.memory_space<vmem_shared>>) attributes {dimension_semantics = [#tpu.dimension_semantics<core_parallel>, #tpu.dimension_semantics<subcore_parallel>], iteration_bounds = array<i64: 2, 16>, scalar_prefetch = 0 : i64, scratch_operands = 3 : i64, tpu.core_type = #tpu.core_type<sc_vector_subcore>, window_params = [{transform_indices = #map}, {transform_indices = #map1}, {transform_indices = #map2}]} {
    %mul3A = arith.constant 16 : i32
    %mul3A_0 = arith.muli %arg0, %mul3A : i32
    %add3A = arith.addi %mul3A_0, %arg1 : i32
    "tpu.region"() ({
      %run_scoped3A = tpu.sem_alloc : memref<!tpu.dma_semaphore, #tpu.memory_space<semaphore_mem>>
      %dma_start3A = arith.constant 0 : i32
      %dma_start3A_13 = arith.constant 0 : i32
      %dma_start3A_14 = tpu.memref_slice %arg2[%add3A, %dma_start3A, %dma_start3A_13] : memref<32x79x128xi32, #tpu.memory_space<hbm>> -> memref<1x79x128xi32, #tpu.memory_space<hbm>>
      %dma_start3A_15 = tpu.memref_squeeze %dma_start3A_14 : memref<1x79x128xi32, #tpu.memory_space<hbm>> -> memref<79x128xi32, #tpu.memory_space<hbm>>
      %dma_start3A_16 = arith.constant 0 : i32
      %dma_start3A_17 = arith.constant 0 : i32
      %dma_start3A_18 = tpu.memref_slice %arg2[%add3A, %dma_start3A_16, %dma_start3A_17] : memref<32x79x128xi32, #tpu.memory_space<hbm>> -> memref<1x79x128xi32, #tpu.memory_space<hbm>>
      %dma_start3A_19 = tpu.memref_squeeze %dma_start3A_18 : memref<1x79x128xi32, #tpu.memory_space<hbm>> -> memref<79x128xi32, #tpu.memory_space<hbm>>
      tpu.enqueue_dma source(%dma_start3A_19 : memref<79x128xi32, #tpu.memory_space<hbm>>) target(%arg5 : memref<79x128xi32, #tpu.memory_space<vmem>>) target_semaphore(%run_scoped3A : memref<!tpu.dma_semaphore, #tpu.memory_space<semaphore_mem>>)
      %dma_wait3A = arith.constant 0 : i32
      %dma_wait3A_20 = arith.constant 0 : i32
      %dma_wait3A_21 = tpu.memref_slice %arg2[%add3A, %dma_wait3A, %dma_wait3A_20] : memref<32x79x128xi32, #tpu.memory_space<hbm>> -> memref<1x79x128xi32, #tpu.memory_space<hbm>>
      %dma_wait3A_22 = tpu.memref_squeeze %dma_wait3A_21 : memref<1x79x128xi32, #tpu.memory_space<hbm>> -> memref<79x128xi32, #tpu.memory_space<hbm>>
      %dma_wait3A_23 = arith.constant 0 : i32
      %dma_wait3A_24 = arith.constant 0 : i32
      %dma_wait3A_25 = tpu.memref_slice %arg2[%add3A, %dma_wait3A_23, %dma_wait3A_24] : memref<32x79x128xi32, #tpu.memory_space<hbm>> -> memref<1x79x128xi32, #tpu.memory_space<hbm>>
      %dma_wait3A_26 = tpu.memref_squeeze %dma_wait3A_25 : memref<1x79x128xi32, #tpu.memory_space<hbm>> -> memref<79x128xi32, #tpu.memory_space<hbm>>
      tpu.wait_dma2 semaphore(%run_scoped3A : memref<!tpu.dma_semaphore, #tpu.memory_space<semaphore_mem>>) src(%dma_wait3A_26 : memref<79x128xi32, #tpu.memory_space<hbm>>) dst(%arg5 : memref<79x128xi32, #tpu.memory_space<vmem>>)
      tpu.yield
    }) : () -> ()
    "tpu.region"() ({
      %run_scoped3A = tpu.sem_alloc : memref<!tpu.dma_semaphore, #tpu.memory_space<semaphore_mem>>
      tpu.enqueue_dma source(%arg3 : memref<768xf32, #tpu.memory_space<hbm>>) target(%arg6 : memref<768xf32, #tpu.memory_space<vmem>>) target_semaphore(%run_scoped3A : memref<!tpu.dma_semaphore, #tpu.memory_space<semaphore_mem>>)
      tpu.wait_dma2 semaphore(%run_scoped3A : memref<!tpu.dma_semaphore, #tpu.memory_space<semaphore_mem>>) src(%arg3 : memref<768xf32, #tpu.memory_space<hbm>>) dst(%arg6 : memref<768xf32, #tpu.memory_space<vmem>>)
      tpu.yield
    }) : () -> ()
    %mul3A_1 = arith.constant 640 : i32
    %mul3A_2 = arith.muli %arg1, %mul3A_1 : i32
    "tpu.region"() ({
      %run_scoped3A = tpu.sem_alloc : memref<!tpu.dma_semaphore, #tpu.memory_space<semaphore_mem>>
      %dma_start3A = arith.constant 0 : i32
      %dma_start3A_13 = tpu.memref_slice %arg6[%dma_start3A] : memref<768xf32, #tpu.memory_space<vmem>> -> memref<640xf32, #tpu.memory_space<vmem>>
      %dma_start3A_14 = tpu.memref_slice %arg7[%mul3A_2] : memref<10240xf32, #tpu.memory_space<vmem_shared>> -> memref<640xf32, #tpu.memory_space<vmem_shared>>
      %dma_start3A_15 = tpu.memref_slice %arg7[%mul3A_2] : memref<10240xf32, #tpu.memory_space<vmem_shared>> -> memref<640xf32, #tpu.memory_space<vmem_shared>>
      %dma_start3A_16 = arith.constant 0 : i32
      %dma_start3A_17 = tpu.memref_slice %arg6[%dma_start3A_16] : memref<768xf32, #tpu.memory_space<vmem>> -> memref<640xf32, #tpu.memory_space<vmem>>
      tpu.enqueue_dma source(%dma_start3A_17 : memref<640xf32, #tpu.memory_space<vmem>>) target(%dma_start3A_15 : memref<640xf32, #tpu.memory_space<vmem_shared>>) target_semaphore(%run_scoped3A : memref<!tpu.dma_semaphore, #tpu.memory_space<semaphore_mem>>)
      %dma_wait3A = arith.constant 0 : i32
      %dma_wait3A_18 = tpu.memref_slice %arg6[%dma_wait3A] : memref<768xf32, #tpu.memory_space<vmem>> -> memref<640xf32, #tpu.memory_space<vmem>>
      %dma_wait3A_19 = tpu.memref_slice %arg7[%mul3A_2] : memref<10240xf32, #tpu.memory_space<vmem_shared>> -> memref<640xf32, #tpu.memory_space<vmem_shared>>
      %dma_wait3A_20 = tpu.memref_slice %arg7[%mul3A_2] : memref<10240xf32, #tpu.memory_space<vmem_shared>> -> memref<640xf32, #tpu.memory_space<vmem_shared>>
      %dma_wait3A_21 = arith.constant 0 : i32
      %dma_wait3A_22 = tpu.memref_slice %arg6[%dma_wait3A_21] : memref<768xf32, #tpu.memory_space<vmem>> -> memref<640xf32, #tpu.memory_space<vmem>>
      tpu.wait_dma2 semaphore(%run_scoped3A : memref<!tpu.dma_semaphore, #tpu.memory_space<semaphore_mem>>) src(%dma_wait3A_22 : memref<640xf32, #tpu.memory_space<vmem>>) dst(%dma_wait3A_20 : memref<640xf32, #tpu.memory_space<vmem_shared>>)
      tpu.yield
    }) : () -> ()
    %barrier3A = arith.constant 0 : index
    tpu.barrier barrier_id(%barrier3A)
    %scan3A = arith.constant 0 : i32
    %scan3A_3 = arith.constant 0 : i32
    %scan3A_4 = arith.constant 79 : i32
    %scan3A_5 = arith.addi %scan3A_3, %scan3A_4 : i32
    %scan3A_6 = arith.constant 1 : i32
    scf.for %scan3A_13 = %scan3A_3 to %scan3A_5 step %scan3A_6  : i32 {
      "tpu.region"() ({
        %run_scoped3A = tpu.sem_alloc : memref<!tpu.dma_semaphore, #tpu.memory_space<semaphore_mem>>
        %dma_start3A = arith.constant 640 : i32
        %dma_start3A_14 = tpu.memref_slice %arg6[%dma_start3A] : memref<768xf32, #tpu.memory_space<vmem>> -> memref<128xf32, #tpu.memory_space<vmem>>
        %dma_start3A_15 = arith.constant 0 : i32
        %dma_start3A_16 = tpu.memref_slice %arg5[%scan3A_13, %dma_start3A_15] : memref<79x128xi32, #tpu.memory_space<vmem>> -> memref<1x128xi32, #tpu.memory_space<vmem>>
        %dma_start3A_17 = tpu.memref_squeeze %dma_start3A_16 : memref<1x128xi32, #tpu.memory_space<vmem>> -> memref<128xi32, #tpu.memory_space<vmem>>
        %dma_start3A_18 = arith.constant 0 : i32
        %dma_start3A_19 = tpu.memref_slice %arg7[%dma_start3A_18] : memref<10240xf32, #tpu.memory_space<vmem_shared>> -> memref<10240xf32, #tpu.memory_space<vmem_shared>>
        tpu.enqueue_indirect_dma source(%dma_start3A_14 : memref<128xf32, #tpu.memory_space<vmem>>) target(%dma_start3A_19 : memref<10240xf32, #tpu.memory_space<vmem_shared>>) offsets(%dma_start3A_17 : memref<128xi32, #tpu.memory_space<vmem>>) semaphore(%run_scoped3A : memref<!tpu.dma_semaphore, #tpu.memory_space<semaphore_mem>>) {add = true}
        %dma_wait3A = arith.constant 640 : i32
        %dma_wait3A_20 = tpu.memref_slice %arg6[%dma_wait3A] : memref<768xf32, #tpu.memory_space<vmem>> -> memref<128xf32, #tpu.memory_space<vmem>>
        %dma_wait3A_21 = arith.constant 0 : i32
        %dma_wait3A_22 = tpu.memref_slice %arg5[%scan3A_13, %dma_wait3A_21] : memref<79x128xi32, #tpu.memory_space<vmem>> -> memref<1x128xi32, #tpu.memory_space<vmem>>
        %dma_wait3A_23 = tpu.memref_squeeze %dma_wait3A_22 : memref<1x128xi32, #tpu.memory_space<vmem>> -> memref<128xi32, #tpu.memory_space<vmem>>
        %dma_wait3A_24 = arith.constant 0 : i32
        %dma_wait3A_25 = tpu.memref_slice %arg7[%dma_wait3A_24] : memref<10240xf32, #tpu.memory_space<vmem_shared>> -> memref<10240xf32, #tpu.memory_space<vmem_shared>>
        tpu.wait_indirect_dma semaphore(%run_scoped3A : memref<!tpu.dma_semaphore, #tpu.memory_space<semaphore_mem>>) src(%dma_wait3A_20 : memref<128xf32, #tpu.memory_space<vmem>>) dst(%dma_wait3A_25 : memref<10240xf32, #tpu.memory_space<vmem_shared>>)
        tpu.yield
      }) : () -> ()
    }
    %scan3A_7 = arith.constant 79 : i32
    %barrier3A_8 = arith.constant 0 : index
    tpu.barrier barrier_id(%barrier3A_8)
    %mul3A_9 = arith.constant 640 : i32
    %mul3A_10 = arith.muli %arg1, %mul3A_9 : i32
    %mul3A_11 = arith.constant 640 : i32
    %mul3A_12 = arith.muli %arg1, %mul3A_11 : i32
    "tpu.region"() ({
      %run_scoped3A = tpu.sem_alloc : memref<!tpu.dma_semaphore, #tpu.memory_space<semaphore_mem>>
      %dma_start3A = tpu.memref_slice %arg4[%arg0, %mul3A_12] : memref<2x10240xf32, #tpu.memory_space<hbm>> -> memref<1x640xf32, #tpu.memory_space<hbm>>
      %dma_start3A_13 = tpu.memref_squeeze %dma_start3A : memref<1x640xf32, #tpu.memory_space<hbm>> -> memref<640xf32, #tpu.memory_space<hbm>>
      %dma_start3A_14 = tpu.memref_slice %arg7[%mul3A_10] : memref<10240xf32, #tpu.memory_space<vmem_shared>> -> memref<640xf32, #tpu.memory_space<vmem_shared>>
      tpu.enqueue_dma source(%dma_start3A_14 : memref<640xf32, #tpu.memory_space<vmem_shared>>) target(%dma_start3A_13 : memref<640xf32, #tpu.memory_space<hbm>>) target_semaphore(%run_scoped3A : memref<!tpu.dma_semaphore, #tpu.memory_space<semaphore_mem>>)
      %dma_wait3A = tpu.memref_slice %arg4[%arg0, %mul3A_12] : memref<2x10240xf32, #tpu.memory_space<hbm>> -> memref<1x640xf32, #tpu.memory_space<hbm>>
      %dma_wait3A_15 = tpu.memref_squeeze %dma_wait3A : memref<1x640xf32, #tpu.memory_space<hbm>> -> memref<640xf32, #tpu.memory_space<hbm>>
      %dma_wait3A_16 = tpu.memref_slice %arg7[%mul3A_10] : memref<10240xf32, #tpu.memory_space<vmem_shared>> -> memref<640xf32, #tpu.memory_space<vmem_shared>>
      tpu.wait_dma2 semaphore(%run_scoped3A : memref<!tpu.dma_semaphore, #tpu.memory_space<semaphore_mem>>) src(%dma_wait3A_16 : memref<640xf32, #tpu.memory_space<vmem_shared>>) dst(%dma_wait3A_15 : memref<640xf32, #tpu.memory_space<hbm>>)
      tpu.yield
    }) : () -> ()
    return
  }
}

module attributes {stable_mosaic.version = 14 : i64} {
  func.func @_pre_body(%arg0: i32, %arg1: memref<2048x128xf32, #tpu.memory_space<vmem>>, %arg2: memref<128x128xf32, #tpu.memory_space<vmem>>, %arg3: memref<128x128xf32, #tpu.memory_space<vmem>>, %arg4: memref<1x128xf32, #tpu.memory_space<vmem>>, %arg5: memref<2x2048x1xf32, #tpu.memory_space<vmem>>, %arg6: memref<2048x128xf32, #tpu.memory_space<vmem>>, %arg7: memref<2048x128xf32, #tpu.memory_space<vmem>>) attributes {dimension_semantics = [#tpu.dimension_semantics<arbitrary>], iteration_bounds = array<i64: 5>, scalar_prefetch = 0 : i64, scratch_operands = 0 : i64, tpu.core_type = #tpu.core_type<tc>, window_params = [{transform_indices = @transform_0, window_bounds = array<i64: 2048, 128>}, {pipeline_mode = #tpu.pipeline_mode<synchronous>, transform_indices = @transform_1, window_bounds = array<i64: 128, 128>}, {pipeline_mode = #tpu.pipeline_mode<synchronous>, transform_indices = @transform_2, window_bounds = array<i64: 128, 128>}, {pipeline_mode = #tpu.pipeline_mode<synchronous>, transform_indices = @transform_3, window_bounds = array<i64: 1, 128>}, {transform_indices = @transform_4, window_bounds = array<i64: 2, 2048, 1>}, {transform_indices = @transform_5, window_bounds = array<i64: 2048, 128>}, {transform_indices = @transform_6, window_bounds = array<i64: 2048, 128>}]} {
    %get3A = arith.constant 0 : index
    %get3A_0 = arith.constant 0 : index
    %get3A_1 = arith.constant 0 : index
    %get3A_2 = vector.load %arg5[%get3A, %get3A_0, %get3A_1] : memref<2x2048x1xf32, #tpu.memory_space<vmem>>, vector<1x2048x1xf32>
    %get3A_3 = vector.shape_cast %get3A_2 : vector<1x2048x1xf32> to vector<2048x1xf32>
    %get3A_4 = arith.constant 1 : index
    %get3A_5 = arith.constant 0 : index
    %get3A_6 = arith.constant 0 : index
    %get3A_7 = vector.load %arg5[%get3A_4, %get3A_5, %get3A_6] : memref<2x2048x1xf32, #tpu.memory_space<vmem>>, vector<1x2048x1xf32>
    %get3A_8 = vector.shape_cast %get3A_7 : vector<1x2048x1xf32> to vector<2048x1xf32>
    %add3A = arith.addf %get3A_3, %get3A_8 : vector<2048x1xf32>
    %add3A_9 = arith.constant 1.000000e+00 : f32
    %add3A_10 = vector.broadcast %add3A_9 : f32 to vector<2048x1xf32>
    %add3A_11 = arith.addf %add3A, %add3A_10 : vector<2048x1xf32>
    %rsqrt3A = math.rsqrt %add3A_11 : vector<2048x1xf32>
    %get3A_12 = arith.constant 0 : index
    %get3A_13 = arith.constant 0 : index
    %get3A_14 = vector.load %arg1[%get3A_12, %get3A_13] : memref<2048x128xf32, #tpu.memory_space<vmem>>, vector<2048x128xf32>
    %get3A_15 = arith.constant 0 : index
    %get3A_16 = arith.constant 0 : index
    %get3A_17 = vector.load %arg2[%get3A_15, %get3A_16] : memref<128x128xf32, #tpu.memory_space<vmem>>, vector<128x128xf32>
    %dot_general3A = arith.constant dense<0.000000e+00> : vector<2048x128xf32>
    %dot_general3A_18 = tpu.matmul %get3A_14, %get3A_17, %dot_general3A {dimension_numbers = #tpu.dot_dimension_numbers<[1], [0], [0], [1], [0, 0, 1, 1], [], []>, transpose_lhs_hint = false} : vector<2048x128xf32>, vector<128x128xf32>, vector<2048x128xf32> -> vector<2048x128xf32>
    %mul3A = vector.broadcast %rsqrt3A : vector<2048x1xf32> to vector<2048x128xf32>
    %mul3A_19 = arith.mulf %dot_general3A_18, %mul3A : vector<2048x128xf32>
    %swap3A = arith.constant 0 : index
    %swap3A_20 = arith.constant 0 : index
    %swap3A_21 = vector.load %arg6[%swap3A, %swap3A_20] : memref<2048x128xf32, #tpu.memory_space<vmem>>, vector<2048x128xf32>
    tpu.vector_store %arg6[%swap3A, %swap3A_20], %mul3A_19 {strides = array<i32>} : memref<2048x128xf32, #tpu.memory_space<vmem>>, vector<2048x128xf32>,
    %get3A_22 = arith.constant 0 : index
    %get3A_23 = arith.constant 0 : index
    %get3A_24 = vector.load %arg3[%get3A_22, %get3A_23] : memref<128x128xf32, #tpu.memory_space<vmem>>, vector<128x128xf32>
    %dot_general3A_25 = arith.constant dense<0.000000e+00> : vector<2048x128xf32>
    %dot_general3A_26 = tpu.matmul %get3A_14, %get3A_24, %dot_general3A_25 {dimension_numbers = #tpu.dot_dimension_numbers<[1], [0], [0], [1], [0, 0, 1, 1], [], []>, transpose_lhs_hint = false} : vector<2048x128xf32>, vector<128x128xf32>, vector<2048x128xf32> -> vector<2048x128xf32>
    %get3A_27 = arith.constant 0 : index
    %get3A_28 = arith.constant 0 : index
    %get3A_29 = vector.load %arg4[%get3A_27, %get3A_28] : memref<1x128xf32, #tpu.memory_space<vmem>>, vector<1x128xf32>
    %add3A_30 = vector.broadcast %get3A_29 : vector<1x128xf32> to vector<2048x128xf32>
    %add3A_31 = arith.addf %dot_general3A_26, %add3A_30 : vector<2048x128xf32>
    %swap3A_32 = arith.constant 0 : index
    %swap3A_33 = arith.constant 0 : index
    %swap3A_34 = vector.load %arg7[%swap3A_32, %swap3A_33] : memref<2048x128xf32, #tpu.memory_space<vmem>>, vector<2048x128xf32>
    tpu.vector_store %arg7[%swap3A_32, %swap3A_33], %add3A_31 {strides = array<i32>} : memref<2048x128xf32, #tpu.memory_space<vmem>>, vector<2048x128xf32>,
    return
  }
  func.func @transform_0(%arg0: i32) -> (i32, i32) {
    %c0_i32 = arith.constant 0 : i32
    %c0_i32_0 = arith.constant 0 : i32
    return %arg0, %c0_i32 : i32, i32
  }
  func.func @transform_1(%arg0: i32) -> (i32, i32) {
    %c0_i32 = arith.constant 0 : i32
    %c0_i32_0 = arith.constant 0 : i32
    %c0_i32_1 = arith.constant 0 : i32
    return %c0_i32, %c0_i32_0 : i32, i32
  }
  func.func @transform_2(%arg0: i32) -> (i32, i32) {
    %c0_i32 = arith.constant 0 : i32
    %c0_i32_0 = arith.constant 0 : i32
    %c0_i32_1 = arith.constant 0 : i32
    return %c0_i32, %c0_i32_0 : i32, i32
  }
  func.func @transform_3(%arg0: i32) -> (i32, i32) {
    %c0_i32 = arith.constant 0 : i32
    %c0_i32_0 = arith.constant 0 : i32
    %c0_i32_1 = arith.constant 0 : i32
    return %c0_i32, %c0_i32_0 : i32, i32
  }
  func.func @transform_4(%arg0: i32) -> (i32, i32, i32) {
    %c0_i32 = arith.constant 0 : i32
    %c0_i32_0 = arith.constant 0 : i32
    %c0_i32_1 = arith.constant 0 : i32
    return %c0_i32, %arg0, %c0_i32_0 : i32, i32, i32
  }
  func.func @transform_5(%arg0: i32) -> (i32, i32) {
    %c0_i32 = arith.constant 0 : i32
    %c0_i32_0 = arith.constant 0 : i32
    return %arg0, %c0_i32 : i32, i32
  }
  func.func @transform_6(%arg0: i32) -> (i32, i32) {
    %c0_i32 = arith.constant 0 : i32
    %c0_i32_0 = arith.constant 0 : i32
    return %arg0, %c0_i32 : i32, i32
  }
}

module attributes {stable_mosaic.version = 14 : i64} {
  func.func @_mid_body(%arg0: i32, %arg1: memref<2x2048x128xf32, #tpu.memory_space<vmem>>, %arg2: memref<2048x128xf32, #tpu.memory_space<vmem>>, %arg3: memref<1x128xf32, #tpu.memory_space<vmem>>, %arg4: memref<128x128xf32, #tpu.memory_space<vmem>>, %arg5: memref<2x2048x1xf32, #tpu.memory_space<vmem>>, %arg6: memref<2048x128xf32, #tpu.memory_space<vmem>>) attributes {dimension_semantics = [#tpu.dimension_semantics<arbitrary>], iteration_bounds = array<i64: 5>, scalar_prefetch = 0 : i64, scratch_operands = 0 : i64, tpu.core_type = #tpu.core_type<tc>, window_params = [{transform_indices = @transform_0, window_bounds = array<i64: 2, 2048, 128>}, {transform_indices = @transform_1, window_bounds = array<i64: 2048, 128>}, {pipeline_mode = #tpu.pipeline_mode<synchronous>, transform_indices = @transform_2, window_bounds = array<i64: 1, 128>}, {pipeline_mode = #tpu.pipeline_mode<synchronous>, transform_indices = @transform_3, window_bounds = array<i64: 128, 128>}, {transform_indices = @transform_4, window_bounds = array<i64: 2, 2048, 1>}, {transform_indices = @transform_5, window_bounds = array<i64: 2048, 128>}]} {
    %get3A = arith.constant 0 : index
    %get3A_0 = arith.constant 0 : index
    %get3A_1 = arith.constant 0 : index
    %get3A_2 = vector.load %arg5[%get3A, %get3A_0, %get3A_1] : memref<2x2048x1xf32, #tpu.memory_space<vmem>>, vector<1x2048x1xf32>
    %get3A_3 = vector.shape_cast %get3A_2 : vector<1x2048x1xf32> to vector<2048x1xf32>
    %get3A_4 = arith.constant 1 : index
    %get3A_5 = arith.constant 0 : index
    %get3A_6 = arith.constant 0 : index
    %get3A_7 = vector.load %arg5[%get3A_4, %get3A_5, %get3A_6] : memref<2x2048x1xf32, #tpu.memory_space<vmem>>, vector<1x2048x1xf32>
    %get3A_8 = vector.shape_cast %get3A_7 : vector<1x2048x1xf32> to vector<2048x1xf32>
    %add3A = arith.addf %get3A_3, %get3A_8 : vector<2048x1xf32>
    %add3A_9 = arith.constant 1.000000e+00 : f32
    %add3A_10 = vector.broadcast %add3A_9 : f32 to vector<2048x1xf32>
    %add3A_11 = arith.addf %add3A, %add3A_10 : vector<2048x1xf32>
    %rsqrt3A = math.rsqrt %add3A_11 : vector<2048x1xf32>
    %get3A_12 = arith.constant 0 : index
    %get3A_13 = arith.constant 0 : index
    %get3A_14 = arith.constant 0 : index
    %get3A_15 = vector.load %arg1[%get3A_12, %get3A_13, %get3A_14] : memref<2x2048x128xf32, #tpu.memory_space<vmem>>, vector<1x2048x128xf32>
    %get3A_16 = vector.shape_cast %get3A_15 : vector<1x2048x128xf32> to vector<2048x128xf32>
    %get3A_17 = arith.constant 1 : index
    %get3A_18 = arith.constant 0 : index
    %get3A_19 = arith.constant 0 : index
    %get3A_20 = vector.load %arg1[%get3A_17, %get3A_18, %get3A_19] : memref<2x2048x128xf32, #tpu.memory_space<vmem>>, vector<1x2048x128xf32>
    %get3A_21 = vector.shape_cast %get3A_20 : vector<1x2048x128xf32> to vector<2048x128xf32>
    %add3A_22 = arith.addf %get3A_16, %get3A_21 : vector<2048x128xf32>
    %get3A_23 = arith.constant 0 : index
    %get3A_24 = arith.constant 0 : index
    %get3A_25 = vector.load %arg2[%get3A_23, %get3A_24] : memref<2048x128xf32, #tpu.memory_space<vmem>>, vector<2048x128xf32>
    %add3A_26 = arith.addf %add3A_22, %get3A_25 : vector<2048x128xf32>
    %mul3A = vector.broadcast %rsqrt3A : vector<2048x1xf32> to vector<2048x128xf32>
    %mul3A_27 = arith.mulf %mul3A, %add3A_26 : vector<2048x128xf32>
    %get3A_28 = arith.constant 0 : index
    %get3A_29 = arith.constant 0 : index
    %get3A_30 = vector.load %arg3[%get3A_28, %get3A_29] : memref<1x128xf32, #tpu.memory_space<vmem>>, vector<1x128xf32>
    %add3A_31 = vector.broadcast %get3A_30 : vector<1x128xf32> to vector<2048x128xf32>
    %add3A_32 = arith.addf %mul3A_27, %add3A_31 : vector<2048x128xf32>
    %max3A = arith.constant 0.000000e+00 : f32
    %max3A_33 = vector.broadcast %max3A : f32 to vector<2048x128xf32>
    %max3A_34 = arith.maximumf %add3A_32, %max3A_33 : vector<2048x128xf32>
    %get3A_35 = arith.constant 0 : index
    %get3A_36 = arith.constant 0 : index
    %get3A_37 = vector.load %arg4[%get3A_35, %get3A_36] : memref<128x128xf32, #tpu.memory_space<vmem>>, vector<128x128xf32>
    %dot_general3A = arith.constant dense<0.000000e+00> : vector<2048x128xf32>
    %dot_general3A_38 = tpu.matmul %max3A_34, %get3A_37, %dot_general3A {dimension_numbers = #tpu.dot_dimension_numbers<[1], [0], [0], [1], [0, 0, 1, 1], [], []>, transpose_lhs_hint = false} : vector<2048x128xf32>, vector<128x128xf32>, vector<2048x128xf32> -> vector<2048x128xf32>
    %mul3A_39 = vector.broadcast %rsqrt3A : vector<2048x1xf32> to vector<2048x128xf32>
    %mul3A_40 = arith.mulf %dot_general3A_38, %mul3A_39 : vector<2048x128xf32>
    %swap3A = arith.constant 0 : index
    %swap3A_41 = arith.constant 0 : index
    %swap3A_42 = vector.load %arg6[%swap3A, %swap3A_41] : memref<2048x128xf32, #tpu.memory_space<vmem>>, vector<2048x128xf32>
    tpu.vector_store %arg6[%swap3A, %swap3A_41], %mul3A_40 {strides = array<i32>} : memref<2048x128xf32, #tpu.memory_space<vmem>>, vector<2048x128xf32>,
    return
  }
  func.func @transform_0(%arg0: i32) -> (i32, i32, i32) {
    %c0_i32 = arith.constant 0 : i32
    %c0_i32_0 = arith.constant 0 : i32
    %c0_i32_1 = arith.constant 0 : i32
    return %c0_i32, %arg0, %c0_i32_0 : i32, i32, i32
  }
  func.func @transform_1(%arg0: i32) -> (i32, i32) {
    %c0_i32 = arith.constant 0 : i32
    %c0_i32_0 = arith.constant 0 : i32
    return %arg0, %c0_i32 : i32, i32
  }
  func.func @transform_2(%arg0: i32) -> (i32, i32) {
    %c0_i32 = arith.constant 0 : i32
    %c0_i32_0 = arith.constant 0 : i32
    %c0_i32_1 = arith.constant 0 : i32
    return %c0_i32, %c0_i32_0 : i32, i32
  }
  func.func @transform_3(%arg0: i32) -> (i32, i32) {
    %c0_i32 = arith.constant 0 : i32
    %c0_i32_0 = arith.constant 0 : i32
    %c0_i32_1 = arith.constant 0 : i32
    return %c0_i32, %c0_i32_0 : i32, i32
  }
  func.func @transform_4(%arg0: i32) -> (i32, i32, i32) {
    %c0_i32 = arith.constant 0 : i32
    %c0_i32_0 = arith.constant 0 : i32
    %c0_i32_1 = arith.constant 0 : i32
    return %c0_i32, %arg0, %c0_i32_0 : i32, i32, i32
  }
  func.func @transform_5(%arg0: i32) -> (i32, i32) {
    %c0_i32 = arith.constant 0 : i32
    %c0_i32_0 = arith.constant 0 : i32
    return %arg0, %c0_i32 : i32, i32
  }
}

module attributes {stable_mosaic.version = 14 : i64} {
  func.func @_post_body(%arg0: i32, %arg1: memref<2x2048x128xf32, #tpu.memory_space<vmem>>, %arg2: memref<2048x128xf32, #tpu.memory_space<vmem>>, %arg3: memref<1x128xf32, #tpu.memory_space<vmem>>, %arg4: memref<2048x128xf32, #tpu.memory_space<vmem>>, %arg5: memref<2x2048x1xf32, #tpu.memory_space<vmem>>, %arg6: memref<2048x128xf32, #tpu.memory_space<vmem>>) attributes {dimension_semantics = [#tpu.dimension_semantics<arbitrary>], iteration_bounds = array<i64: 5>, scalar_prefetch = 0 : i64, scratch_operands = 0 : i64, tpu.core_type = #tpu.core_type<tc>, window_params = [{transform_indices = @transform_0, window_bounds = array<i64: 2, 2048, 128>}, {transform_indices = @transform_1, window_bounds = array<i64: 2048, 128>}, {pipeline_mode = #tpu.pipeline_mode<synchronous>, transform_indices = @transform_2, window_bounds = array<i64: 1, 128>}, {transform_indices = @transform_3, window_bounds = array<i64: 2048, 128>}, {transform_indices = @transform_4, window_bounds = array<i64: 2, 2048, 1>}, {transform_indices = @transform_5, window_bounds = array<i64: 2048, 128>}]} {
    %get3A = arith.constant 0 : index
    %get3A_0 = arith.constant 0 : index
    %get3A_1 = arith.constant 0 : index
    %get3A_2 = vector.load %arg5[%get3A, %get3A_0, %get3A_1] : memref<2x2048x1xf32, #tpu.memory_space<vmem>>, vector<1x2048x1xf32>
    %get3A_3 = vector.shape_cast %get3A_2 : vector<1x2048x1xf32> to vector<2048x1xf32>
    %get3A_4 = arith.constant 1 : index
    %get3A_5 = arith.constant 0 : index
    %get3A_6 = arith.constant 0 : index
    %get3A_7 = vector.load %arg5[%get3A_4, %get3A_5, %get3A_6] : memref<2x2048x1xf32, #tpu.memory_space<vmem>>, vector<1x2048x1xf32>
    %get3A_8 = vector.shape_cast %get3A_7 : vector<1x2048x1xf32> to vector<2048x1xf32>
    %add3A = arith.addf %get3A_3, %get3A_8 : vector<2048x1xf32>
    %add3A_9 = arith.constant 1.000000e+00 : f32
    %add3A_10 = vector.broadcast %add3A_9 : f32 to vector<2048x1xf32>
    %add3A_11 = arith.addf %add3A, %add3A_10 : vector<2048x1xf32>
    %rsqrt3A = math.rsqrt %add3A_11 : vector<2048x1xf32>
    %get3A_12 = arith.constant 0 : index
    %get3A_13 = arith.constant 0 : index
    %get3A_14 = arith.constant 0 : index
    %get3A_15 = vector.load %arg1[%get3A_12, %get3A_13, %get3A_14] : memref<2x2048x128xf32, #tpu.memory_space<vmem>>, vector<1x2048x128xf32>
    %get3A_16 = vector.shape_cast %get3A_15 : vector<1x2048x128xf32> to vector<2048x128xf32>
    %get3A_17 = arith.constant 1 : index
    %get3A_18 = arith.constant 0 : index
    %get3A_19 = arith.constant 0 : index
    %get3A_20 = vector.load %arg1[%get3A_17, %get3A_18, %get3A_19] : memref<2x2048x128xf32, #tpu.memory_space<vmem>>, vector<1x2048x128xf32>
    %get3A_21 = vector.shape_cast %get3A_20 : vector<1x2048x128xf32> to vector<2048x128xf32>
    %add3A_22 = arith.addf %get3A_16, %get3A_21 : vector<2048x128xf32>
    %get3A_23 = arith.constant 0 : index
    %get3A_24 = arith.constant 0 : index
    %get3A_25 = vector.load %arg2[%get3A_23, %get3A_24] : memref<2048x128xf32, #tpu.memory_space<vmem>>, vector<2048x128xf32>
    %add3A_26 = arith.addf %add3A_22, %get3A_25 : vector<2048x128xf32>
    %mul3A = vector.broadcast %rsqrt3A : vector<2048x1xf32> to vector<2048x128xf32>
    %mul3A_27 = arith.mulf %mul3A, %add3A_26 : vector<2048x128xf32>
    %get3A_28 = arith.constant 0 : index
    %get3A_29 = arith.constant 0 : index
    %get3A_30 = vector.load %arg3[%get3A_28, %get3A_29] : memref<1x128xf32, #tpu.memory_space<vmem>>, vector<1x128xf32>
    %add3A_31 = vector.broadcast %get3A_30 : vector<1x128xf32> to vector<2048x128xf32>
    %add3A_32 = arith.addf %mul3A_27, %add3A_31 : vector<2048x128xf32>
    %get3A_33 = arith.constant 0 : index
    %get3A_34 = arith.constant 0 : index
    %get3A_35 = vector.load %arg4[%get3A_33, %get3A_34] : memref<2048x128xf32, #tpu.memory_space<vmem>>, vector<2048x128xf32>
    %add3A_36 = arith.addf %add3A_32, %get3A_35 : vector<2048x128xf32>
    %swap3A = arith.constant 0 : index
    %swap3A_37 = arith.constant 0 : index
    %swap3A_38 = vector.load %arg6[%swap3A, %swap3A_37] : memref<2048x128xf32, #tpu.memory_space<vmem>>, vector<2048x128xf32>
    tpu.vector_store %arg6[%swap3A, %swap3A_37], %add3A_36 {strides = array<i32>} : memref<2048x128xf32, #tpu.memory_space<vmem>>, vector<2048x128xf32>,
    return
  }
  func.func @transform_0(%arg0: i32) -> (i32, i32, i32) {
    %c0_i32 = arith.constant 0 : i32
    %c0_i32_0 = arith.constant 0 : i32
    %c0_i32_1 = arith.constant 0 : i32
    return %c0_i32, %arg0, %c0_i32_0 : i32, i32, i32
  }
  func.func @transform_1(%arg0: i32) -> (i32, i32) {
    %c0_i32 = arith.constant 0 : i32
    %c0_i32_0 = arith.constant 0 : i32
    return %arg0, %c0_i32 : i32, i32
  }
  func.func @transform_2(%arg0: i32) -> (i32, i32) {
    %c0_i32 = arith.constant 0 : i32
    %c0_i32_0 = arith.constant 0 : i32
    %c0_i32_1 = arith.constant 0 : i32
    return %c0_i32, %c0_i32_0 : i32, i32
  }
  func.func @transform_3(%arg0: i32) -> (i32, i32) {
    %c0_i32 = arith.constant 0 : i32
    %c0_i32_0 = arith.constant 0 : i32
    return %arg0, %c0_i32 : i32, i32
  }
  func.func @transform_4(%arg0: i32) -> (i32, i32, i32) {
    %c0_i32 = arith.constant 0 : i32
    %c0_i32_0 = arith.constant 0 : i32
    %c0_i32_1 = arith.constant 0 : i32
    return %c0_i32, %arg0, %c0_i32_0 : i32, i32, i32
  }
  func.func @transform_5(%arg0: i32) -> (i32, i32) {
    %c0_i32 = arith.constant 0 : i32
    %c0_i32_0 = arith.constant 0 : i32
    return %arg0, %c0_i32 : i32, i32
  }
}

</mosaic_0001>

<sc_bundles>
// kernel: kernel.11.cloned.1.call-start
scs
__scs_entry_jumppad:
0x0: {  	(pc) =	sbr.rel $0x88, $3  }
0x1: {  	(tag) =	ssettag $0x0;
	lr =	simm.s32 $0x1  }
0x2: {  	[smem:$0x3F99] =	sst lr;
	_ =	strace $0xD0000000  }
0x3: {  	_ = 	snop  }
0x4: {  	_ = 	snop  }
0x5: {  	_ = 	snop  }
0x6: {  	_ = 	snop  }
0x7: {  	_ = 	snop  }
__scs_overlays_trampoline_lowered:
0x8: {  	[smem:$0x3FA8] =	sst s0  }
0x9: {  	[smem:$0x3FA9] =	sst s1  }
0xa: {  	[smem:$0x3FAA] =	sst s2  }
0xb: {  	[smem:$0x3FAB] =	sst s3  }
0xc: {  	[smem:$0x3FAC] =	sst s4  }
0xd: {  	[smem:$0x3FAD] =	sst s5  }
0xe: {  	[smem:$0x3FAE] =	sst s6  }
0xf: {  	[smem:$0x3FAF] =	sst s7  }
0x10: {  	[smem:$0x3FB0] =	sst s8  }
0x11: {  	[smem:$0x3FB1] =	sst s9;
	s0 =	simm.s32 @!p0 $0x0  }
0x12: {  	s1 =	sld [smem:$0x3F97];
	s0 =	simm.s32 @p0 $0x1  }
0x13: {  	[smem:$0x3FB2] =	sst s0;
	s0 =	simm.s32 @!p1 $0x0  }
0x14: {  	s2 =	sld [smem:$0x3F96];
	s0 =	simm.s32 @p1 $0x1  }
0x15: {  	[smem:$0x3FB3] =	sst s0;
	s0 =	simm.s32 @!p2 $0x0  }
0x16: {  	s3 =	sld [smem:$0x3FDB];
	s0 =	simm.s32 @p2 $0x1  }
0x17: {  	s4 =	simm.s32 $0x1BF5;
	[smem:$0x3FB5] =	sst s0  }
0x18: {  	s0 =	sld [smem:$0x3F98];
	_ =	swait.ge [sflag:s4], $0x0  }
0x19: {  	s7 =	sld [smem:$0x3F99]  }
0x1a: {  	s8 =	sadd.s32 $0xFFFFE003, lr  }
0x1b: {  	s9 =	sadd.s32 $0xFFFFFEF7, lr;
	s5 =	simm.s32 $0xFFFFFFFF;
	p2 =	slt.u32 s8, $0xFFFFF086  }
0x1c: {  	p1 =	slt.u32 s9, $0xF7A;
	s5 =	simm.s32 @!p2 $0x0  }
0x1d: {  	s5 =	simm.s32 @p1 $0x1;
	p0 =	seq.s32 s7, s2  }
0x1e: {  	s7 =	smul.u32 @!p0 $0xF7A, s2;
	p2 =	seq.s32 @!p0 s5, $0x0  }
0x1f: {  	s9 =	smul.u32 $0xF7A, s1;
	s8 =	simm.s32 @!p0 $0x1BF5;
	p2 =	por !p2, p0  }
0x20: {  	[sflag:s8] =	ssyncset.s32 @!p0 $0xFFFFF086;
	s6 =	sadd.s32 @!p0 s3, s7;
	s7 =	simm.s32 @!p0 $0x108  }
0x21: {  	s3 =	sadd.s32 s3, s9;
	s6 =	sadd.s32 @!p0 $0x88, s6;
	s7 =	simm.s32 @p2 $0x1082  }
0x22: {  	[simem:s7], [sflag:s8] =	dma.local @!p0 [hbm:s6], $0xF7A  }
0x23: {  	s9 =	sor.u32 $0xD0000000, s2;
	s6 =	simm.s32 $0x108;
	_ =	swait.ge @!p0 [sflag:s8], $0x0  }
0x24: {  	s3 =	sadd.s32 $0x88, s3;
	s6 =	simm.s32 @!p1 $0x1082;
	[sflag:s4] =	ssyncset.s32 $0xFFFFF086  }
0x25: {  	[simem:s6], [sflag:s4] =	dma.local [hbm:s3], $0xF7A  }
0x26: {  	[smem:$0x3F99] =	sst s1;
	(tag) =	ssettag s2;
	_ =	strace s9  }
0x27: {  	s1 =	sld [smem:$0x3FA9]  }
0x28: {  	s2 =	sld [smem:$0x3FAA]  }
0x29: {  	s4 =	sld [smem:$0x3FAC]  }
0x2a: {  	p0 =	seq.s32 s5, $0x0;
	s5 =	sld [smem:$0x3FAD]  }
0x2b: {  	s6 =	sld [smem:$0x3FAE]  }
0x2c: {  	s7 =	sld [smem:$0x3FAF]  }
0x2d: {  	s3 =	simm.s32 $0x108;
	s8 =	sld [smem:$0x3FB0]  }
0x2e: {  	s3 =	simm.s32 @!p0 $0x1082;
	s9 =	sld [smem:$0x3FB1]  }
0x2f: {  	lr =	sadd.s32 s0, s3;
	s0 =	sld [smem:$0x3FA8]  }
0x30: {  	s3 =	sld [smem:$0x3FAB]  }
0x31: {  	[smem:$0x3FB4] =	sst s10  }
0x32: {  	s10 =	sld [smem:$0x3FB2];
	_ =	sdelay $0x3  }
0x33: {  	p0 =	seq.s32 s10, $0x1;
	s10 =	sld [smem:$0x3FB4];
	_ =	sdelay $0x3  }
0x34: {  	[smem:$0x3FB4] =	sst s10  }
0x35: {  	s10 =	sld [smem:$0x3FB3];
	_ =	sdelay $0x3  }
0x36: {  	p1 =	seq.s32 s10, $0x1;
	s10 =	sld [smem:$0x3FB4];
	_ =	sdelay $0x3  }
0x37: {  	[smem:$0x3FB4] =	sst s10  }
0x38: {  	s10 =	sld [smem:$0x3FB5]  }
0x39: {  	_ = 	snop;
	(pc) =	sbr.ind lr, $3  }
0x3a: {  	_ = 	snop  }
0x3b: {  	_ = 	snop  }
0x3c: {  	p2 =	seq.s32 s10, $0x1;
	s10 =	sld [smem:$0x3FB4]  }
0x3d: {  	_ =	shalt  }
0x3e: {  	_ =	shalt  }
0x3f: {  	_ =	shalt  }
0x40: {  	_ =	shalt  }
0x41: {  	_ =	shalt  }
0x42: {  	_ =	shalt  }
0x43: {  	_ =	shalt  }
0x44: {  	_ =	shalt  }
0x45: {  	_ =	shalt  }
0x46: {  	_ =	shalt  }
0x47: {  	_ =	shalt  }
0x48: {  	_ =	shalt  }
0x49: {  	_ =	shalt  }
0x4a: {  	_ =	shalt  }
0x4b: {  	_ =	shalt  }
0x4c: {  	_ =	shalt  }
0x4d: {  	_ =	shalt  }
0x4e: {  	_ =	shalt  }
0x4f: {  	_ =	shalt  }
0x50: {  	_ =	shalt  }
0x51: {  	_ =	shalt  }
0x52: {  	_ =	shalt  }
0x53: {  	_ =	shalt  }
0x54: {  	_ =	shalt  }
0x55: {  	_ =	shalt  }
0x56: {  	_ =	shalt  }
0x57: {  	_ =	shalt  }
0x58: {  	_ =	shalt  }
0x59: {  	_ =	shalt  }
0x5a: {  	_ =	shalt  }
0x5b: {  	_ =	shalt  }
0x5c: {  	_ =	shalt  }
0x5d: {  	_ =	shalt  }
0x5e: {  	_ =	shalt  }
0x5f: {  	_ =	shalt  }
0x60: {  	_ =	shalt  }
0x61: {  	_ =	shalt  }
0x62: {  	_ =	shalt  }
0x63: {  	_ =	shalt  }
0x64: {  	_ =	shalt  }
0x65: {  	_ =	shalt  }
0x66: {  	_ =	shalt  }
0x67: {  	_ =	shalt  }
0x68: {  	_ =	shalt  }
0x69: {  	_ =	shalt  }
0x6a: {  	_ =	shalt  }
0x6b: {  	_ =	shalt  }
0x6c: {  	_ =	shalt  }
0x6d: {  	_ =	shalt  }
0x6e: {  	_ =	shalt  }
0x6f: {  	_ =	shalt  }
0x70: {  	_ =	shalt  }
0x71: {  	_ =	shalt  }
0x72: {  	_ =	shalt  }
0x73: {  	_ =	shalt  }
0x74: {  	_ =	shalt  }
0x75: {  	_ =	shalt  }
0x76: {  	_ =	shalt  }
0x77: {  	_ =	shalt  }
0x78: {  	_ =	shalt  }
0x79: {  	_ =	shalt  }
0x7a: {  	_ =	shalt  }
0x7b: {  	_ =	shalt  }
0x7c: {  	_ =	shalt  }
0x7d: {  	_ =	shalt  }
0x7e: {  	_ =	shalt  }
0x7f: {  	_ =	shalt  }
0x80: {  	_ =	shalt  }
0x81: {  	_ =	shalt  }
0x82: {  	_ =	shalt  }
0x83: {  	_ =	shalt  }
0x84: {  	_ =	shalt  }
0x85: {  	_ =	shalt  }
0x86: {  	_ =	shalt  }
0x87: {  	_ =	shalt  }
.Lfunc_end0:
.L_simem_size_0:
called_computation.1_lowered:
.L_overlay_start_0:
0x88: {  	s2 =	sld [smem:$0x3FD9]  }
0x89: {  	s3 =	sld [smem:$0x3FFE];
	_ =	sdelay $0x1  }
0x8a: {  	s1 =	srdreg.scid  }
0x8b: {  	s0 =	sand.u32 $0x1, s1  }
0x8c: {  	s17 =	sshll.u32 s0, $0xA;
	s2 =	sadd.s32 s3, s2  }
0x8d: {  	s2 =	sadd.s32 s2, s17  }
0x8e: {  	[smem:$0x3FC0] =	sst s2  }
0x8f: {  	_ = 	snop  }
0x90: {  	s2 =	sld [smem:$0x3FD0];
	(tm) =	ssettm $0x1  }
0x91: {  	s18 =	sld [smem:$0x3FFB];
	_ =	sdelay $0x3  }
0x92: {  	_ =	strace s18  }
0x93: {  	s3 =	sld [smem:$0x3FFC];
	_ =	sdelay $0x3  }
0x94: {  	_ =	strace s3  }
0x95: {  	s3 =	sld [smem:$0x3FFD];
	_ =	sdelay $0x3  }
0x96: {  	_ =	strace s3  }
0x97: {  	_ =	strace $0x8FFFFFFF  }
0x98: {  	s19 =	sld [smem:$0x3FDB];
	_ =	sdelay $0x1  }
0x99: {  	s4 =	simm.s32 $_scs_section_size  }
0x9a: {  	s5 =	simm.s32 $_size__tile_overlayer_lowered;
	s6 =	simm.s32 $_tile_overlayer_lowered  }
0x9b: {  	s22 =	simm.s32 $0x1BFF;
	s21 =	sshll.u32 s6, $0x1;
	s3 =	sadd.s32 s4, s19  }
0x9c: {  	s7 =	simm.s32 $0x0;
	s20 =	sshll.u32 s5, $0x1;
	s5 =	sadd.s32 s21, s3  }
0x9d: {  	[timem:s7], [sflag:s22] =	dma.local [hbm:s5], s20  }
0x9e: {  	_ =	swait.ge [sflag:s22], s20  }
0x9f: {  	s4 =	ssub.s32 $0x0, s20;
	[sflag:s22] =	ssyncset.done $0x0  }
0xa0: {  	[sflag:s22] =	ssyncadd.s32 s4;
	_ =	sdelay $0x1  }
0xa1: {  	s23 =	simm.s32 $0x1B8B  }
0xa2: {  	_ =	swait.ge [sflag:s23], $0x1  }
0xa3: {  	[sflag:s23] =	ssyncset.done $0x0  }
0xa4: {  	s25 =	simm.s32 $0x1B8E;
	s24 =	sld [smem:$0x3FFE];
	[sflag:s23] =	ssyncadd.s32 $0xFFFFFFFF  }
0xa5: {  	s26 =	simm.s32 $execute0_lowered;
	[smem:$0x3FD2] =	sst s25  }
0xa6: {  	s5 =	sshll.u32 s26, $0x1;
	_ =	strace $0x80000049;
	[dreg:$0x1] =	wrdreg $0xFFFFFFFF  }
0xa7: {  	s28 =	simm.s32 $_size_execute0_lowered;
	s3 =	sadd.s32 s3, s5;
	[dreg:$0x0] =	wrdreg $0x0  }
0xa8: {  	s5 =	sshll.u32 s28, $0x1;
	[dreg:$0x2] =	wrdreg s3  }
0xa9: {  	[dreg:$0x3] =	wrdreg s5  }
0xaa: {  	[dreg:$0x4] =	wrdreg $0xC0  }
0xab: {  	_ =	task [dreg:s7], $0x5FFFF  }
0xac: {  	[dreg:$0x1] =	wrdreg $0xFFFFFFFF  }
0xad: {  	[dreg:$0x0] =	wrdreg $0x60  }
0xae: {  	[dreg:$0x2] =	wrdreg s24  }
0xaf: {  	[dreg:$0x3] =	wrdreg s2  }
0xb0: {  	[dreg:$0x4] =	wrdreg $0x90000  }
0xb1: {  	[dreg:$0x5] =	wrdreg $0x9  }
0xb2: {  	_ =	task.clear_ibuf [dreg:s7], $0x6FFFF;
	_ =	strace $0x90000049  }
0xb3: {  	s29 =	simm.s32 $0x9;
	_ =	strace $0x8000004B  }
0xb4: {  	_ =	swait.ge [sflag:s29], $0x1  }
0xb5: {  	[sflag:s29] =	ssyncadd.s32 $0xFFFFFFFF  }
0xb6: {  	_ =	strace $0x9000004B  }
0xb7: {  	_ =	sfence  }
0xb8: {  	s30 =	sld [smem:$0x0];
	_ =	sdelay $0x2  }
0xb9: {  	s31 =	sshll.u32 s1, $0xD;
	s1 =	sshrl.u32 s1, $0x2  }
0xba: {  	s3 =	sand.u32 $0x4000, s31;
	s1 =	sadd.s32 s1, s30  }
0xbb: {  	s0 =	sor.u32 s3, s0;
	s1 =	sshll.u32 s1, $0x11  }
0xbc: {  	s0 =	sor.u32 s1, s0  }
0xbd: {  	s0 =	sadd.s32 $0x8F2B, s0  }
0xbe: {  	[sflag:s0] =	ssyncadd.remote.s32 $0x1  }
0xbf: {  	_ =	sfence.sel $0xFFFF  }
0xc0: {  	[dreg:$0x0] =	wrdreg $0xFFFFFFFF;
	(pc) =	sbr.abs _section_cstart, $3  }
0xc1: {  	[dreg:$0x1] =	wrdreg $0xFFFFFFFF  }
0xc2: {  	_ =	task.clear_ibuf [dreg:s7], $0x2FFFF;
	_ =	strace $0x9FFFFFFF  }
0xc3: {  	(tm) =	ssettm $0x7FFFFFFF  }
tec
execute0_lowered:
.L_overlay_start_1:
0x0: {  	(tag) =	ssettag $0x1  }
0x1: {  	s6 =	rddreg [dreg:$0x0]  }
0x2: {  	s7 =	rddreg [dreg:$0x1]  }
0x3: {  	s0 =	srdreg.scid;
	s2 =	rddreg [dreg:$0x2];
	s3 =	simm.s32 $0x0  }
0x4: {  	s16 =	simm.s32 $0x2800;
	s17 =	simm.s32 $0x5000;
	s18 =	simm.s32 $0x80  }
0x5: {  	s19 =	simm.s32 $0x1;
	s5 =	sand.u32 $0x1, s0;
	s0 =	stileid.u32  }
0x6: {  	s22 =	simm.s32 $0x0;
	[smem:$0x7FF] =	sst s3;
	s9 =	smul.u32 $0x140000, s5  }
0x7: {  	s4 =	sadd.s32 $0x5D800, s6;
	s1 =	sshll.u32 s5, $0x4;
	s10 =	smul.u32 $0x14000, s0  }
0x8: {  	s30 =	ssub.s32 $0x2, s5;
	s12 =	smul.u32 $0x50000, s0;
	s5 =	sadd.s32 $0x2C00, s6  }
0x9: {  	s20 =	sshll.u32 s0, $0x6;
	s1 =	sor.u32 s0, s1;
	s13 =	sshrl.u32 s30, $0x1  }
0xa: {  	s20 =	sor.u32 $0x1C02, s20;
	s8 =	smul.u32 $0x500, s1;
	s1 =	rddreg [dreg:$0x3]  }
0xb: {  	_ =	strace $0x8000004A;
	s9 =	sadd.s32 s10, s9;
	s15 =	ssub.s32 s30, s13  }
0xc: {  	s31 =	sshrl.u32 s12, $0x2;
	s9 =	sshrl.u32 s9, $0x3;
	s11 =	sadd.s32 s8, s6  }
0xd: {  	s14 =	sadd.s32 s9, s6;
	s7 =	sadd.s32 s7, s8;
	s8 =	sadd.s32 s31, s2  }
0xe: {  	s6 =	sadd.s32 $0x3800, s11;
	s9 =	sadd.s32 $0x4000, s8;
	s10 =	sadd.s32 $0x8000, s8  }
0xf: {  	s11 =	sadd.s32 $0xC000, s8;
	s12 =	sadd.s32 $0x10000, s8;
	s13 =	sadd.s32 $0x85800, s14  }
0x10: {  	s14 =	smax.u32 s15, $0x1;
	s15 =	simm.s32 $0x2;
	s21 =	sshrl.u32 s8, $0x3  }
.LBB2_1:
0x11: {  	[tilespmem:s3], [sflag:$0x2] =	stream.linear.gather [hbm4b:s6+s3], $0x2780, $0x38;
	[tilespmem:$0x1D000] =	vst v63  }
0x12: {  	_ =	swait.ge [sflag:s15], $0x2780  }
0x13: {  	[sflag:s15] =	ssyncset.done $0x0  }
0x14: {  	[sflag:s15] =	ssyncadd.s32 $0xFFFFD880  }
0x15: {  	[tilespmem:s16], [sflag:$0x2] =	stream.linear.gather [hbm4b:s7+s3], $0x2780, $0x38;
	[tilespmem:$0x1D000] =	vst v63  }
0x16: {  	_ =	swait.ge [sflag:s15], $0x2780  }
0x17: {  	[sflag:s15] =	ssyncset.done $0x0  }
0x18: {  	[sflag:s15] =	ssyncadd.s32 $0xFFFFD880  }
0x19: {  	[tilespmem:s17], [sflag:$0x2] =	stream.linear.gather [hbm4b:s5+s3], $0x4000, $0x38;
	[tilespmem:$0x1D000] =	vst v63  }
0x1a: {  	_ =	swait.ge [sflag:s15], $0x4000  }
0x1b: {  	[sflag:s15] =	ssyncset.done $0x0  }
0x1c: {  	[sflag:s15] =	ssyncadd.s32 $0xFFFFC000  }
0x1d: {  	[spmem:s8] =	stream.linear.scatter [tilespmem:s17], [sflag:$0x2], $0x4000, $0x38;
	[tilespmem:$0x1D000] =	vst v63  }
0x1e: {  	_ =	swait.ge [sflag:s15], $0x4000  }
0x1f: {  	[sflag:s15] =	ssyncset.done $0x0  }
0x20: {  	[sflag:s15] =	ssyncadd.s32 $0xFFFFC000  }
0x21: {  	[spmem:s9] =	stream.linear.scatter [tilespmem:s17], [sflag:$0x2], $0x4000, $0x38;
	[tilespmem:$0x1D000] =	vst v63  }
0x22: {  	_ =	swait.ge [sflag:s15], $0x4000  }
0x23: {  	[sflag:s15] =	ssyncset.done $0x0  }
0x24: {  	[sflag:s15] =	ssyncadd.s32 $0xFFFFC000  }
0x25: {  	[spmem:s10] =	stream.linear.scatter [tilespmem:s17], [sflag:$0x2], $0x4000, $0x38;
	[tilespmem:$0x1D000] =	vst v63  }
0x26: {  	_ =	swait.ge [sflag:s15], $0x4000  }
0x27: {  	[sflag:s15] =	ssyncset.done $0x0  }
0x28: {  	[sflag:s15] =	ssyncadd.s32 $0xFFFFC000  }
0x29: {  	[spmem:s11] =	stream.linear.scatter [tilespmem:s17], [sflag:$0x2], $0x4000, $0x38;
	[tilespmem:$0x1D000] =	vst v63  }
0x2a: {  	_ =	swait.ge [sflag:s15], $0x4000  }
0x2b: {  	[sflag:s15] =	ssyncset.done $0x0  }
0x2c: {  	[sflag:s15] =	ssyncadd.s32 $0xFFFFC000  }
0x2d: {  	[spmem:s12] =	stream.linear.scatter [tilespmem:s17], [sflag:$0x2], $0x4000, $0x38;
	[tilespmem:$0x1D000] =	vst v63  }
0x2e: {  	_ =	swait.ge [sflag:s15], $0x4000  }
0x2f: {  	[sflag:s15] =	ssyncset.done $0x0  }
0x30: {  	[sflag:s15] =	ssyncadd.s32 $0xFFFFC000  }
0x31: {  	s23 =	simm.s32 $0x0;
	[bflag:$0x0] =	sbarrier.arrive $0xFFFF  }
0x32: {  	[tilespmem:s17], [sflag:$0x1] =	stream.indirect.gather [hbm4b:s4+s18], $0x80, s23, s18, $0xb8;
	[tilespmem:$0x1D000] =	vst v63  }
0x33: {  	_ =	swait.ge [sflag:s19], $0x4000  }
0x34: {  	[sflag:s19] =	ssyncset.done $0x0  }
0x35: {  	s31 =	simm.s32 $0x2800;
	[sflag:s19] =	ssyncadd.s32 $0xFFFFC000  }
0x36: {  	[spmem:s2] =	stream.indirect.scatter.add.f32 [tilespmem:s17], [sflag:$0x2], $0x80, s31, s18, $0xb8;
	[tilespmem:$0x1D000] =	vst v63  }
0x37: {  	_ =	swait.ge [sflag:s15], $0x4000  }
0x38: {  	s24 =	simm.s32 $0x400;
	s23 =	simm.s32 $0x200;
	[sflag:s15] =	ssyncset.done $0x0  }
.LBB2_2:
0x39: {  	s25 =	sshra.s32 s23, $0x2  }
0x3a: {  	[sflag:s15] =	ssyncadd.s32 $0xFFFFC000;
	s23 =	smov.u32 s24;
	s26 =	sadd.s32 $0x200, s24  }
0x3b: {  	[tilespmem:s17], [sflag:$0x1] =	stream.indirect.gather [hbm4b:s4+s18], $0x80, s25, s18, $0xb8;
	[tilespmem:$0x1D000] =	vst v63  }
0x3c: {  	p0 =	sne.s32 s24, $0x9C00;
	_ =	swait.ge [sflag:s19], $0x4000  }
.Ltmp0:
0x3d: {  	[sflag:s19] =	ssyncset.done $0x0;
	(pc) =	sbr.rel @p0 .LBB2_2-.Ltmp0, $4  }
0x3e: {  	s24 =	sadd.s32 $0x2800, s25;
	[sflag:s19] =	ssyncadd.s32 $0xFFFFC000  }
0x3f: {  	[spmem:s2] =	stream.indirect.scatter.add.f32 [tilespmem:s17], [sflag:$0x2], $0x80, s24, s18, $0xb8;
	[tilespmem:$0x1D000] =	vst v63  }
0x40: {  	_ =	swait.ge [sflag:s15], $0x4000  }
0x41: {  	s24 =	smov.u32 s26;
	[sflag:s15] =	ssyncset.done $0x0  }
0x42: {  	s23 =	sshra.s32 s23, $0x2;
	[sflag:s15] =	ssyncadd.s32 $0xFFFFC000  }
0x43: {  	[tilespmem:s17], [sflag:$0x1] =	stream.indirect.gather [hbm4b:s4+s18], $0x80, s23, s18, $0xb8;
	[tilespmem:$0x1D000] =	vst v63  }
0x44: {  	_ =	swait.ge [sflag:s19], $0x4000  }
0x45: {  	[sflag:s19] =	ssyncset.done $0x0  }
0x46: {  	s23 =	sadd.s32 $0x2800, s23;
	[sflag:s19] =	ssyncadd.s32 $0xFFFFC000  }
0x47: {  	[spmem:s2] =	stream.indirect.scatter.add.f32 [tilespmem:s17], [sflag:$0x2], $0x80, s23, s18, $0xb8;
	[tilespmem:$0x1D000] =	vst v63  }
0x48: {  	_ =	swait.ge [sflag:s15], $0x4000  }
0x49: {  	s22 =	sadd.s32 $0x1, s22;
	[sflag:s15] =	ssyncset.done $0x0  }
0x4a: {  	p0 =	sne.s32 s22, s14;
	[sflag:s15] =	ssyncadd.s32 $0xFFFFC000  }
.Ltmp1:
0x4b: {  	[bflag:$0x0] =	sbarrier.arrive $0xFFFF;
	(pc) =	sbr.rel @p0 .LBB2_1-.Ltmp1, $4  }
0x4c: {  	[hbm:s13], [sflag:s20] =	dma.local [spmem:s21], $0x2800  }
0x4d: {  	_ =	swait.ge [sflag:s15], $0x2800  }
0x4e: {  	[sflag:s15] =	ssyncset.done $0x0  }
0x4f: {  	[sflag:s15] =	ssyncadd.s32 $0xFFFFD800  }
0x50: {  	_ =	sfence.sel $0x180000  }
0x51: {  	[bflag:$0x0] =	sbarrier.arrive $0xFFFF  }
0x52: {  	p0 =	sne.s32 s0, $0x0;
	_ =	strace $0x9000004A  }
0x53: {  	s0 =	sadd.s32 @!p0 $0x100000, s1;
	[bflag:$0x2] =	sbarrier.arrive $0xFFFF  }
0x54: {  	[sflag:s0] =	ssyncadd.tile.s32 @!p0 $0x1;
	_ =	shalt  }
.Lfunc_end2:
_tile_overlayer_lowered:
.L_overlay_start_2:
0x55: {  	(tag) =	ssettag $0x2  }
0x56: {  	s0 =	rddreg [dreg:$0x0];
	s2 =	stileid.u32  }
0x57: {  	s1 =	rddreg [dreg:$0x1];
	p0 =	sne.s32 s2, $0x0  }
0x58: {  	s3 =	rddreg [dreg:$0x2];
	[bflag:$0x3] =	sbarrier.arrive $0xFFFF;
	s2 =	simm.s32 @!p0 $0x1C02  }
0x59: {  	[timem:s3], [sflag:s2] =	dma.local @!p0 [hbm:s0], s1  }
0x5a: {  	s0 =	simm.s32 @!p0 $0x2  }
0x5b: {  	_ =	swait.ge @!p0 [sflag:s0], s1  }
0x5c: {  	s1 =	ssub.s32 @!p0 $0x0, s1;
	[sflag:s0] =	ssyncset.done @!p0 $0x0  }
0x5d: {  	[sflag:s0] =	ssyncadd.s32 @!p0 s1  }
0x5e: {  	[bflag:$0x3] =	sbarrier.arrive $0xFFFF  }
0x5f: {  	_ =	shalt  }

// kernel: kernel.14.cloned.1.call-start
scs
__scs_entry_jumppad:
0x0: {  	(pc) =	sbr.rel $0x88, $3  }
0x1: {  	(tag) =	ssettag $0x0;
	lr =	simm.s32 $0x1  }
0x2: {  	[smem:$0x3F99] =	sst lr;
	_ =	strace $0xD0000000  }
0x3: {  	_ = 	snop  }
0x4: {  	_ = 	snop  }
0x5: {  	_ = 	snop  }
0x6: {  	_ = 	snop  }
0x7: {  	_ = 	snop  }
__scs_overlays_trampoline_lowered:
0x8: {  	[smem:$0x3FA8] =	sst s0  }
0x9: {  	[smem:$0x3FA9] =	sst s1  }
0xa: {  	[smem:$0x3FAA] =	sst s2  }
0xb: {  	[smem:$0x3FAB] =	sst s3  }
0xc: {  	[smem:$0x3FAC] =	sst s4  }
0xd: {  	[smem:$0x3FAD] =	sst s5  }
0xe: {  	[smem:$0x3FAE] =	sst s6  }
0xf: {  	[smem:$0x3FAF] =	sst s7  }
0x10: {  	[smem:$0x3FB0] =	sst s8  }
0x11: {  	[smem:$0x3FB1] =	sst s9;
	s0 =	simm.s32 @!p0 $0x0  }
0x12: {  	s1 =	sld [smem:$0x3F97];
	s0 =	simm.s32 @p0 $0x1  }
0x13: {  	[smem:$0x3FB2] =	sst s0;
	s0 =	simm.s32 @!p1 $0x0  }
0x14: {  	s2 =	sld [smem:$0x3F96];
	s0 =	simm.s32 @p1 $0x1  }
0x15: {  	[smem:$0x3FB3] =	sst s0;
	s0 =	simm.s32 @!p2 $0x0  }
0x16: {  	s3 =	sld [smem:$0x3FDB];
	s0 =	simm.s32 @p2 $0x1  }
0x17: {  	s4 =	simm.s32 $0x1BF5;
	[smem:$0x3FB5] =	sst s0  }
0x18: {  	s0 =	sld [smem:$0x3F98];
	_ =	swait.ge [sflag:s4], $0x0  }
0x19: {  	s7 =	sld [smem:$0x3F99]  }
0x1a: {  	s8 =	sadd.s32 $0xFFFFE003, lr  }
0x1b: {  	s9 =	sadd.s32 $0xFFFFFEF7, lr;
	s5 =	simm.s32 $0xFFFFFFFF;
	p2 =	slt.u32 s8, $0xFFFFF086  }
0x1c: {  	p1 =	slt.u32 s9, $0xF7A;
	s5 =	simm.s32 @!p2 $0x0  }
0x1d: {  	s5 =	simm.s32 @p1 $0x1;
	p0 =	seq.s32 s7, s2  }
0x1e: {  	s7 =	smul.u32 @!p0 $0xF7A, s2;
	p2 =	seq.s32 @!p0 s5, $0x0  }
0x1f: {  	s9 =	smul.u32 $0xF7A, s1;
	s8 =	simm.s32 @!p0 $0x1BF5;
	p2 =	por !p2, p0  }
0x20: {  	[sflag:s8] =	ssyncset.s32 @!p0 $0xFFFFF086;
	s6 =	sadd.s32 @!p0 s3, s7;
	s7 =	simm.s32 @!p0 $0x108  }
0x21: {  	s3 =	sadd.s32 s3, s9;
	s6 =	sadd.s32 @!p0 $0x88, s6;
	s7 =	simm.s32 @p2 $0x1082  }
0x22: {  	[simem:s7], [sflag:s8] =	dma.local @!p0 [hbm:s6], $0xF7A  }
0x23: {  	s9 =	sor.u32 $0xD0000000, s2;
	s6 =	simm.s32 $0x108;
	_ =	swait.ge @!p0 [sflag:s8], $0x0  }
0x24: {  	s3 =	sadd.s32 $0x88, s3;
	s6 =	simm.s32 @!p1 $0x1082;
	[sflag:s4] =	ssyncset.s32 $0xFFFFF086  }
0x25: {  	[simem:s6], [sflag:s4] =	dma.local [hbm:s3], $0xF7A  }
0x26: {  	[smem:$0x3F99] =	sst s1;
	(tag) =	ssettag s2;
	_ =	strace s9  }
0x27: {  	s1 =	sld [smem:$0x3FA9]  }
0x28: {  	s2 =	sld [smem:$0x3FAA]  }
0x29: {  	s4 =	sld [smem:$0x3FAC]  }
0x2a: {  	p0 =	seq.s32 s5, $0x0;
	s5 =	sld [smem:$0x3FAD]  }
0x2b: {  	s6 =	sld [smem:$0x3FAE]  }
0x2c: {  	s7 =	sld [smem:$0x3FAF]  }
0x2d: {  	s3 =	simm.s32 $0x108;
	s8 =	sld [smem:$0x3FB0]  }
0x2e: {  	s3 =	simm.s32 @!p0 $0x1082;
	s9 =	sld [smem:$0x3FB1]  }
0x2f: {  	lr =	sadd.s32 s0, s3;
	s0 =	sld [smem:$0x3FA8]  }
0x30: {  	s3 =	sld [smem:$0x3FAB]  }
0x31: {  	[smem:$0x3FB4] =	sst s10  }
0x32: {  	s10 =	sld [smem:$0x3FB2];
	_ =	sdelay $0x3  }
0x33: {  	p0 =	seq.s32 s10, $0x1;
	s10 =	sld [smem:$0x3FB4];
	_ =	sdelay $0x3  }
0x34: {  	[smem:$0x3FB4] =	sst s10  }
0x35: {  	s10 =	sld [smem:$0x3FB3];
	_ =	sdelay $0x3  }
0x36: {  	p1 =	seq.s32 s10, $0x1;
	s10 =	sld [smem:$0x3FB4];
	_ =	sdelay $0x3  }
0x37: {  	[smem:$0x3FB4] =	sst s10  }
0x38: {  	s10 =	sld [smem:$0x3FB5]  }
0x39: {  	_ = 	snop;
	(pc) =	sbr.ind lr, $3  }
0x3a: {  	_ = 	snop  }
0x3b: {  	_ = 	snop  }
0x3c: {  	p2 =	seq.s32 s10, $0x1;
	s10 =	sld [smem:$0x3FB4]  }
0x3d: {  	_ =	shalt  }
0x3e: {  	_ =	shalt  }
0x3f: {  	_ =	shalt  }
0x40: {  	_ =	shalt  }
0x41: {  	_ =	shalt  }
0x42: {  	_ =	shalt  }
0x43: {  	_ =	shalt  }
0x44: {  	_ =	shalt  }
0x45: {  	_ =	shalt  }
0x46: {  	_ =	shalt  }
0x47: {  	_ =	shalt  }
0x48: {  	_ =	shalt  }
0x49: {  	_ =	shalt  }
0x4a: {  	_ =	shalt  }
0x4b: {  	_ =	shalt  }
0x4c: {  	_ =	shalt  }
0x4d: {  	_ =	shalt  }
0x4e: {  	_ =	shalt  }
0x4f: {  	_ =	shalt  }
0x50: {  	_ =	shalt  }
0x51: {  	_ =	shalt  }
0x52: {  	_ =	shalt  }
0x53: {  	_ =	shalt  }
0x54: {  	_ =	shalt  }
0x55: {  	_ =	shalt  }
0x56: {  	_ =	shalt  }
0x57: {  	_ =	shalt  }
0x58: {  	_ =	shalt  }
0x59: {  	_ =	shalt  }
0x5a: {  	_ =	shalt  }
0x5b: {  	_ =	shalt  }
0x5c: {  	_ =	shalt  }
0x5d: {  	_ =	shalt  }
0x5e: {  	_ =	shalt  }
0x5f: {  	_ =	shalt  }
0x60: {  	_ =	shalt  }
0x61: {  	_ =	shalt  }
0x62: {  	_ =	shalt  }
0x63: {  	_ =	shalt  }
0x64: {  	_ =	shalt  }
0x65: {  	_ =	shalt  }
0x66: {  	_ =	shalt  }
0x67: {  	_ =	shalt  }
0x68: {  	_ =	shalt  }
0x69: {  	_ =	shalt  }
0x6a: {  	_ =	shalt  }
0x6b: {  	_ =	shalt  }
0x6c: {  	_ =	shalt  }
0x6d: {  	_ =	shalt  }
0x6e: {  	_ =	shalt  }
0x6f: {  	_ =	shalt  }
0x70: {  	_ =	shalt  }
0x71: {  	_ =	shalt  }
0x72: {  	_ =	shalt  }
0x73: {  	_ =	shalt  }
0x74: {  	_ =	shalt  }
0x75: {  	_ =	shalt  }
0x76: {  	_ =	shalt  }
0x77: {  	_ =	shalt  }
0x78: {  	_ =	shalt  }
0x79: {  	_ =	shalt  }
0x7a: {  	_ =	shalt  }
0x7b: {  	_ =	shalt  }
0x7c: {  	_ =	shalt  }
0x7d: {  	_ =	shalt  }
0x7e: {  	_ =	shalt  }
0x7f: {  	_ =	shalt  }
0x80: {  	_ =	shalt  }
0x81: {  	_ =	shalt  }
0x82: {  	_ =	shalt  }
0x83: {  	_ =	shalt  }
0x84: {  	_ =	shalt  }
0x85: {  	_ =	shalt  }
0x86: {  	_ =	shalt  }
0x87: {  	_ =	shalt  }
.Lfunc_end0:
.L_simem_size_0:
called_computation.2_lowered:
.L_overlay_start_0:
0x88: {  	s2 =	sld [smem:$0x3FD9]  }
0x89: {  	s3 =	sld [smem:$0x3FFE];
	_ =	sdelay $0x1  }
0x8a: {  	s1 =	srdreg.scid  }
0x8b: {  	s0 =	sand.u32 $0x1, s1  }
0x8c: {  	s17 =	sshll.u32 s0, $0xA;
	s2 =	sadd.s32 s3, s2  }
0x8d: {  	s2 =	sadd.s32 s2, s17  }
0x8e: {  	[smem:$0x3FC0] =	sst s2  }
0x8f: {  	_ = 	snop  }
0x90: {  	s2 =	sld [smem:$0x3FD0];
	(tm) =	ssettm $0x1  }
0x91: {  	s18 =	sld [smem:$0x3FFB];
	_ =	sdelay $0x3  }
0x92: {  	_ =	strace s18  }
0x93: {  	s3 =	sld [smem:$0x3FFC];
	_ =	sdelay $0x3  }
0x94: {  	_ =	strace s3  }
0x95: {  	s3 =	sld [smem:$0x3FFD];
	_ =	sdelay $0x3  }
0x96: {  	_ =	strace s3  }
0x97: {  	_ =	strace $0x8FFFFFFF  }
0x98: {  	s19 =	sld [smem:$0x3FDB];
	_ =	sdelay $0x1  }
0x99: {  	s4 =	simm.s32 $_scs_section_size  }
0x9a: {  	s5 =	simm.s32 $_size__tile_overlayer_lowered;
	s6 =	simm.s32 $_tile_overlayer_lowered  }
0x9b: {  	s22 =	simm.s32 $0x1BFF;
	s21 =	sshll.u32 s6, $0x1;
	s3 =	sadd.s32 s4, s19  }
0x9c: {  	s7 =	simm.s32 $0x0;
	s20 =	sshll.u32 s5, $0x1;
	s5 =	sadd.s32 s21, s3  }
0x9d: {  	[timem:s7], [sflag:s22] =	dma.local [hbm:s5], s20  }
0x9e: {  	_ =	swait.ge [sflag:s22], s20  }
0x9f: {  	s4 =	ssub.s32 $0x0, s20;
	[sflag:s22] =	ssyncset.done $0x0  }
0xa0: {  	[sflag:s22] =	ssyncadd.s32 s4;
	_ =	sdelay $0x1  }
0xa1: {  	s23 =	simm.s32 $0x1B8B  }
0xa2: {  	_ =	swait.ge [sflag:s23], $0x1  }
0xa3: {  	[sflag:s23] =	ssyncset.done $0x0  }
0xa4: {  	s25 =	simm.s32 $0x1B8E;
	s24 =	sld [smem:$0x3FFE];
	[sflag:s23] =	ssyncadd.s32 $0xFFFFFFFF  }
0xa5: {  	s26 =	simm.s32 $execute0_lowered;
	[smem:$0x3FD2] =	sst s25  }
0xa6: {  	s5 =	sshll.u32 s26, $0x1;
	_ =	strace $0x8000004C;
	[dreg:$0x1] =	wrdreg $0xFFFFFFFF  }
0xa7: {  	s28 =	simm.s32 $_size_execute0_lowered;
	s3 =	sadd.s32 s3, s5;
	[dreg:$0x0] =	wrdreg $0x0  }
0xa8: {  	s5 =	sshll.u32 s28, $0x1;
	[dreg:$0x2] =	wrdreg s3  }
0xa9: {  	[dreg:$0x3] =	wrdreg s5  }
0xaa: {  	[dreg:$0x4] =	wrdreg $0xC0  }
0xab: {  	_ =	task [dreg:s7], $0x5FFFF  }
0xac: {  	[dreg:$0x1] =	wrdreg $0xFFFFFFFF  }
0xad: {  	[dreg:$0x0] =	wrdreg $0x60  }
0xae: {  	[dreg:$0x2] =	wrdreg s24  }
0xaf: {  	[dreg:$0x3] =	wrdreg s2  }
0xb0: {  	[dreg:$0x4] =	wrdreg $0x90000  }
0xb1: {  	[dreg:$0x5] =	wrdreg $0x9  }
0xb2: {  	_ =	task.clear_ibuf [dreg:s7], $0x6FFFF;
	_ =	strace $0x9000004C  }
0xb3: {  	s29 =	simm.s32 $0x9;
	_ =	strace $0x8000004E  }
0xb4: {  	_ =	swait.ge [sflag:s29], $0x1  }
0xb5: {  	[sflag:s29] =	ssyncadd.s32 $0xFFFFFFFF  }
0xb6: {  	_ =	strace $0x9000004E  }
0xb7: {  	_ =	sfence  }
0xb8: {  	s30 =	sld [smem:$0x0];
	_ =	sdelay $0x2  }
0xb9: {  	s31 =	sshll.u32 s1, $0xD;
	s1 =	sshrl.u32 s1, $0x2  }
0xba: {  	s3 =	sand.u32 $0x4000, s31;
	s1 =	sadd.s32 s1, s30  }
0xbb: {  	s0 =	sor.u32 s3, s0;
	s1 =	sshll.u32 s1, $0x11  }
0xbc: {  	s0 =	sor.u32 s1, s0  }
0xbd: {  	s0 =	sadd.s32 $0x8F2B, s0  }
0xbe: {  	[sflag:s0] =	ssyncadd.remote.s32 $0x1  }
0xbf: {  	_ =	sfence.sel $0xFFFF  }
0xc0: {  	[dreg:$0x0] =	wrdreg $0xFFFFFFFF;
	(pc) =	sbr.abs _section_cstart, $3  }
0xc1: {  	[dreg:$0x1] =	wrdreg $0xFFFFFFFF  }
0xc2: {  	_ =	task.clear_ibuf [dreg:s7], $0x2FFFF;
	_ =	strace $0x9FFFFFFF  }
0xc3: {  	(tm) =	ssettm $0x7FFFFFFF  }
tec
execute0_lowered:
.L_overlay_start_1:
0x0: {  	(tag) =	ssettag $0x1  }
0x1: {  	s6 =	rddreg [dreg:$0x0]  }
0x2: {  	s7 =	rddreg [dreg:$0x1]  }
0x3: {  	s0 =	srdreg.scid;
	s2 =	rddreg [dreg:$0x2];
	s3 =	simm.s32 $0x0  }
0x4: {  	s16 =	simm.s32 $0x2800;
	s17 =	simm.s32 $0x5000;
	s18 =	simm.s32 $0x80  }
0x5: {  	s19 =	simm.s32 $0x1;
	s5 =	sand.u32 $0x1, s0;
	s0 =	stileid.u32  }
0x6: {  	s22 =	simm.s32 $0x0;
	[smem:$0x7FF] =	sst s3;
	s9 =	smul.u32 $0x140000, s5  }
0x7: {  	s4 =	sadd.s32 $0x5D800, s6;
	s1 =	sshll.u32 s5, $0x4;
	s10 =	smul.u32 $0x14000, s0  }
0x8: {  	s30 =	ssub.s32 $0x2, s5;
	s12 =	smul.u32 $0x50000, s0;
	s5 =	sadd.s32 $0x2C00, s6  }
0x9: {  	s20 =	sshll.u32 s0, $0x6;
	s1 =	sor.u32 s0, s1;
	s13 =	sshrl.u32 s30, $0x1  }
0xa: {  	s20 =	sor.u32 $0x1C02, s20;
	s8 =	smul.u32 $0x500, s1;
	s1 =	rddreg [dreg:$0x3]  }
0xb: {  	_ =	strace $0x8000004D;
	s9 =	sadd.s32 s10, s9;
	s15 =	ssub.s32 s30, s13  }
0xc: {  	s31 =	sshrl.u32 s12, $0x2;
	s9 =	sshrl.u32 s9, $0x3;
	s11 =	sadd.s32 s8, s6  }
0xd: {  	s14 =	sadd.s32 s9, s6;
	s7 =	sadd.s32 s7, s8;
	s8 =	sadd.s32 s31, s2  }
0xe: {  	s6 =	sadd.s32 $0x3800, s11;
	s9 =	sadd.s32 $0x4000, s8;
	s10 =	sadd.s32 $0x8000, s8  }
0xf: {  	s11 =	sadd.s32 $0xC000, s8;
	s12 =	sadd.s32 $0x10000, s8;
	s13 =	sadd.s32 $0x85800, s14  }
0x10: {  	s14 =	smax.u32 s15, $0x1;
	s15 =	simm.s32 $0x2;
	s21 =	sshrl.u32 s8, $0x3  }
.LBB2_1:
0x11: {  	[tilespmem:s3], [sflag:$0x2] =	stream.linear.gather [hbm4b:s6+s3], $0x2780, $0x38;
	[tilespmem:$0x1D000] =	vst v63  }
0x12: {  	_ =	swait.ge [sflag:s15], $0x2780  }
0x13: {  	[sflag:s15] =	ssyncset.done $0x0  }
0x14: {  	[sflag:s15] =	ssyncadd.s32 $0xFFFFD880  }
0x15: {  	[tilespmem:s16], [sflag:$0x2] =	stream.linear.gather [hbm4b:s7+s3], $0x2780, $0x38;
	[tilespmem:$0x1D000] =	vst v63  }
0x16: {  	_ =	swait.ge [sflag:s15], $0x2780  }
0x17: {  	[sflag:s15] =	ssyncset.done $0x0  }
0x18: {  	[sflag:s15] =	ssyncadd.s32 $0xFFFFD880  }
0x19: {  	[tilespmem:s17], [sflag:$0x2] =	stream.linear.gather [hbm4b:s5+s3], $0x4000, $0x38;
	[tilespmem:$0x1D000] =	vst v63  }
0x1a: {  	_ =	swait.ge [sflag:s15], $0x4000  }
0x1b: {  	[sflag:s15] =	ssyncset.done $0x0  }
0x1c: {  	[sflag:s15] =	ssyncadd.s32 $0xFFFFC000  }
0x1d: {  	[spmem:s8] =	stream.linear.scatter [tilespmem:s17], [sflag:$0x2], $0x4000, $0x38;
	[tilespmem:$0x1D000] =	vst v63  }
0x1e: {  	_ =	swait.ge [sflag:s15], $0x4000  }
0x1f: {  	[sflag:s15] =	ssyncset.done $0x0  }
0x20: {  	[sflag:s15] =	ssyncadd.s32 $0xFFFFC000  }
0x21: {  	[spmem:s9] =	stream.linear.scatter [tilespmem:s17], [sflag:$0x2], $0x4000, $0x38;
	[tilespmem:$0x1D000] =	vst v63  }
0x22: {  	_ =	swait.ge [sflag:s15], $0x4000  }
0x23: {  	[sflag:s15] =	ssyncset.done $0x0  }
0x24: {  	[sflag:s15] =	ssyncadd.s32 $0xFFFFC000  }
0x25: {  	[spmem:s10] =	stream.linear.scatter [tilespmem:s17], [sflag:$0x2], $0x4000, $0x38;
	[tilespmem:$0x1D000] =	vst v63  }
0x26: {  	_ =	swait.ge [sflag:s15], $0x4000  }
0x27: {  	[sflag:s15] =	ssyncset.done $0x0  }
0x28: {  	[sflag:s15] =	ssyncadd.s32 $0xFFFFC000  }
0x29: {  	[spmem:s11] =	stream.linear.scatter [tilespmem:s17], [sflag:$0x2], $0x4000, $0x38;
	[tilespmem:$0x1D000] =	vst v63  }
0x2a: {  	_ =	swait.ge [sflag:s15], $0x4000  }
0x2b: {  	[sflag:s15] =	ssyncset.done $0x0  }
0x2c: {  	[sflag:s15] =	ssyncadd.s32 $0xFFFFC000  }
0x2d: {  	[spmem:s12] =	stream.linear.scatter [tilespmem:s17], [sflag:$0x2], $0x4000, $0x38;
	[tilespmem:$0x1D000] =	vst v63  }
0x2e: {  	_ =	swait.ge [sflag:s15], $0x4000  }
0x2f: {  	[sflag:s15] =	ssyncset.done $0x0  }
0x30: {  	[sflag:s15] =	ssyncadd.s32 $0xFFFFC000  }
0x31: {  	s23 =	simm.s32 $0x0;
	[bflag:$0x0] =	sbarrier.arrive $0xFFFF  }
0x32: {  	[tilespmem:s17], [sflag:$0x1] =	stream.indirect.gather [hbm4b:s4+s18], $0x80, s23, s18, $0xb8;
	[tilespmem:$0x1D000] =	vst v63  }
0x33: {  	_ =	swait.ge [sflag:s19], $0x4000  }
0x34: {  	[sflag:s19] =	ssyncset.done $0x0  }
0x35: {  	s31 =	simm.s32 $0x2800;
	[sflag:s19] =	ssyncadd.s32 $0xFFFFC000  }
0x36: {  	[spmem:s2] =	stream.indirect.scatter.add.f32 [tilespmem:s17], [sflag:$0x2], $0x80, s31, s18, $0xb8;
	[tilespmem:$0x1D000] =	vst v63  }
0x37: {  	_ =	swait.ge [sflag:s15], $0x4000  }
0x38: {  	s24 =	simm.s32 $0x400;
	s23 =	simm.s32 $0x200;
	[sflag:s15] =	ssyncset.done $0x0  }
.LBB2_2:
0x39: {  	s25 =	sshra.s32 s23, $0x2  }
0x3a: {  	[sflag:s15] =	ssyncadd.s32 $0xFFFFC000;
	s23 =	smov.u32 s24;
	s26 =	sadd.s32 $0x200, s24  }
0x3b: {  	[tilespmem:s17], [sflag:$0x1] =	stream.indirect.gather [hbm4b:s4+s18], $0x80, s25, s18, $0xb8;
	[tilespmem:$0x1D000] =	vst v63  }
0x3c: {  	p0 =	sne.s32 s24, $0x9C00;
	_ =	swait.ge [sflag:s19], $0x4000  }
.Ltmp0:
0x3d: {  	[sflag:s19] =	ssyncset.done $0x0;
	(pc) =	sbr.rel @p0 .LBB2_2-.Ltmp0, $4  }
0x3e: {  	s24 =	sadd.s32 $0x2800, s25;
	[sflag:s19] =	ssyncadd.s32 $0xFFFFC000  }
0x3f: {  	[spmem:s2] =	stream.indirect.scatter.add.f32 [tilespmem:s17], [sflag:$0x2], $0x80, s24, s18, $0xb8;
	[tilespmem:$0x1D000] =	vst v63  }
0x40: {  	_ =	swait.ge [sflag:s15], $0x4000  }
0x41: {  	s24 =	smov.u32 s26;
	[sflag:s15] =	ssyncset.done $0x0  }
0x42: {  	s23 =	sshra.s32 s23, $0x2;
	[sflag:s15] =	ssyncadd.s32 $0xFFFFC000  }
0x43: {  	[tilespmem:s17], [sflag:$0x1] =	stream.indirect.gather [hbm4b:s4+s18], $0x80, s23, s18, $0xb8;
	[tilespmem:$0x1D000] =	vst v63  }
0x44: {  	_ =	swait.ge [sflag:s19], $0x4000  }
0x45: {  	[sflag:s19] =	ssyncset.done $0x0  }
0x46: {  	s23 =	sadd.s32 $0x2800, s23;
	[sflag:s19] =	ssyncadd.s32 $0xFFFFC000  }
0x47: {  	[spmem:s2] =	stream.indirect.scatter.add.f32 [tilespmem:s17], [sflag:$0x2], $0x80, s23, s18, $0xb8;
	[tilespmem:$0x1D000] =	vst v63  }
0x48: {  	_ =	swait.ge [sflag:s15], $0x4000  }
0x49: {  	s22 =	sadd.s32 $0x1, s22;
	[sflag:s15] =	ssyncset.done $0x0  }
0x4a: {  	p0 =	sne.s32 s22, s14;
	[sflag:s15] =	ssyncadd.s32 $0xFFFFC000  }
.Ltmp1:
0x4b: {  	[bflag:$0x0] =	sbarrier.arrive $0xFFFF;
	(pc) =	sbr.rel @p0 .LBB2_1-.Ltmp1, $4  }
0x4c: {  	[hbm:s13], [sflag:s20] =	dma.local [spmem:s21], $0x2800  }
0x4d: {  	_ =	swait.ge [sflag:s15], $0x2800  }
0x4e: {  	[sflag:s15] =	ssyncset.done $0x0  }
0x4f: {  	[sflag:s15] =	ssyncadd.s32 $0xFFFFD800  }
0x50: {  	_ =	sfence.sel $0x180000  }
0x51: {  	[bflag:$0x0] =	sbarrier.arrive $0xFFFF  }
0x52: {  	p0 =	sne.s32 s0, $0x0;
	_ =	strace $0x9000004D  }
0x53: {  	s0 =	sadd.s32 @!p0 $0x100000, s1;
	[bflag:$0x2] =	sbarrier.arrive $0xFFFF  }
0x54: {  	[sflag:s0] =	ssyncadd.tile.s32 @!p0 $0x1;
	_ =	shalt  }
.Lfunc_end2:
_tile_overlayer_lowered:
.L_overlay_start_2:
0x55: {  	(tag) =	ssettag $0x2  }
0x56: {  	s0 =	rddreg [dreg:$0x0];
	s2 =	stileid.u32  }
0x57: {  	s1 =	rddreg [dreg:$0x1];
	p0 =	sne.s32 s2, $0x0  }
0x58: {  	s3 =	rddreg [dreg:$0x2];
	[bflag:$0x3] =	sbarrier.arrive $0xFFFF;
	s2 =	simm.s32 @!p0 $0x1C02  }
0x59: {  	[timem:s3], [sflag:s2] =	dma.local @!p0 [hbm:s0], s1  }
0x5a: {  	s0 =	simm.s32 @!p0 $0x2  }
0x5b: {  	_ =	swait.ge @!p0 [sflag:s0], s1  }
0x5c: {  	s1 =	ssub.s32 @!p0 $0x0, s1;
	[sflag:s0] =	ssyncset.done @!p0 $0x0  }
0x5d: {  	[sflag:s0] =	ssyncadd.s32 @!p0 s1  }
0x5e: {  	[bflag:$0x3] =	sbarrier.arrive $0xFFFF  }
0x5f: {  	_ =	shalt  }

// kernel: kernel.8.cloned.1.call-start
scs
__scs_entry_jumppad:
0x0: {  	(pc) =	sbr.rel $0x88, $3  }
0x1: {  	(tag) =	ssettag $0x0;
	lr =	simm.s32 $0x1  }
0x2: {  	[smem:$0x3F99] =	sst lr;
	_ =	strace $0xD0000000  }
0x3: {  	_ = 	snop  }
0x4: {  	_ = 	snop  }
0x5: {  	_ = 	snop  }
0x6: {  	_ = 	snop  }
0x7: {  	_ = 	snop  }
__scs_overlays_trampoline_lowered:
0x8: {  	[smem:$0x3FA8] =	sst s0  }
0x9: {  	[smem:$0x3FA9] =	sst s1  }
0xa: {  	[smem:$0x3FAA] =	sst s2  }
0xb: {  	[smem:$0x3FAB] =	sst s3  }
0xc: {  	[smem:$0x3FAC] =	sst s4  }
0xd: {  	[smem:$0x3FAD] =	sst s5  }
0xe: {  	[smem:$0x3FAE] =	sst s6  }
0xf: {  	[smem:$0x3FAF] =	sst s7  }
0x10: {  	[smem:$0x3FB0] =	sst s8  }
0x11: {  	[smem:$0x3FB1] =	sst s9;
	s0 =	simm.s32 @!p0 $0x0  }
0x12: {  	s1 =	sld [smem:$0x3F97];
	s0 =	simm.s32 @p0 $0x1  }
0x13: {  	[smem:$0x3FB2] =	sst s0;
	s0 =	simm.s32 @!p1 $0x0  }
0x14: {  	s2 =	sld [smem:$0x3F96];
	s0 =	simm.s32 @p1 $0x1  }
0x15: {  	[smem:$0x3FB3] =	sst s0;
	s0 =	simm.s32 @!p2 $0x0  }
0x16: {  	s3 =	sld [smem:$0x3FDB];
	s0 =	simm.s32 @p2 $0x1  }
0x17: {  	s4 =	simm.s32 $0x1BF5;
	[smem:$0x3FB5] =	sst s0  }
0x18: {  	s0 =	sld [smem:$0x3F98];
	_ =	swait.ge [sflag:s4], $0x0  }
0x19: {  	s7 =	sld [smem:$0x3F99]  }
0x1a: {  	s8 =	sadd.s32 $0xFFFFE003, lr  }
0x1b: {  	s9 =	sadd.s32 $0xFFFFFEF7, lr;
	s5 =	simm.s32 $0xFFFFFFFF;
	p2 =	slt.u32 s8, $0xFFFFF086  }
0x1c: {  	p1 =	slt.u32 s9, $0xF7A;
	s5 =	simm.s32 @!p2 $0x0  }
0x1d: {  	s5 =	simm.s32 @p1 $0x1;
	p0 =	seq.s32 s7, s2  }
0x1e: {  	s7 =	smul.u32 @!p0 $0xF7A, s2;
	p2 =	seq.s32 @!p0 s5, $0x0  }
0x1f: {  	s9 =	smul.u32 $0xF7A, s1;
	s8 =	simm.s32 @!p0 $0x1BF5;
	p2 =	por !p2, p0  }
0x20: {  	[sflag:s8] =	ssyncset.s32 @!p0 $0xFFFFF086;
	s6 =	sadd.s32 @!p0 s3, s7;
	s7 =	simm.s32 @!p0 $0x108  }
0x21: {  	s3 =	sadd.s32 s3, s9;
	s6 =	sadd.s32 @!p0 $0x88, s6;
	s7 =	simm.s32 @p2 $0x1082  }
0x22: {  	[simem:s7], [sflag:s8] =	dma.local @!p0 [hbm:s6], $0xF7A  }
0x23: {  	s9 =	sor.u32 $0xD0000000, s2;
	s6 =	simm.s32 $0x108;
	_ =	swait.ge @!p0 [sflag:s8], $0x0  }
0x24: {  	s3 =	sadd.s32 $0x88, s3;
	s6 =	simm.s32 @!p1 $0x1082;
	[sflag:s4] =	ssyncset.s32 $0xFFFFF086  }
0x25: {  	[simem:s6], [sflag:s4] =	dma.local [hbm:s3], $0xF7A  }
0x26: {  	[smem:$0x3F99] =	sst s1;
	(tag) =	ssettag s2;
	_ =	strace s9  }
0x27: {  	s1 =	sld [smem:$0x3FA9]  }
0x28: {  	s2 =	sld [smem:$0x3FAA]  }
0x29: {  	s4 =	sld [smem:$0x3FAC]  }
0x2a: {  	p0 =	seq.s32 s5, $0x0;
	s5 =	sld [smem:$0x3FAD]  }
0x2b: {  	s6 =	sld [smem:$0x3FAE]  }
0x2c: {  	s7 =	sld [smem:$0x3FAF]  }
0x2d: {  	s3 =	simm.s32 $0x108;
	s8 =	sld [smem:$0x3FB0]  }
0x2e: {  	s3 =	simm.s32 @!p0 $0x1082;
	s9 =	sld [smem:$0x3FB1]  }
0x2f: {  	lr =	sadd.s32 s0, s3;
	s0 =	sld [smem:$0x3FA8]  }
0x30: {  	s3 =	sld [smem:$0x3FAB]  }
0x31: {  	[smem:$0x3FB4] =	sst s10  }
0x32: {  	s10 =	sld [smem:$0x3FB2];
	_ =	sdelay $0x3  }
0x33: {  	p0 =	seq.s32 s10, $0x1;
	s10 =	sld [smem:$0x3FB4];
	_ =	sdelay $0x3  }
0x34: {  	[smem:$0x3FB4] =	sst s10  }
0x35: {  	s10 =	sld [smem:$0x3FB3];
	_ =	sdelay $0x3  }
0x36: {  	p1 =	seq.s32 s10, $0x1;
	s10 =	sld [smem:$0x3FB4];
	_ =	sdelay $0x3  }
0x37: {  	[smem:$0x3FB4] =	sst s10  }
0x38: {  	s10 =	sld [smem:$0x3FB5]  }
0x39: {  	_ = 	snop;
	(pc) =	sbr.ind lr, $3  }
0x3a: {  	_ = 	snop  }
0x3b: {  	_ = 	snop  }
0x3c: {  	p2 =	seq.s32 s10, $0x1;
	s10 =	sld [smem:$0x3FB4]  }
0x3d: {  	_ =	shalt  }
0x3e: {  	_ =	shalt  }
0x3f: {  	_ =	shalt  }
0x40: {  	_ =	shalt  }
0x41: {  	_ =	shalt  }
0x42: {  	_ =	shalt  }
0x43: {  	_ =	shalt  }
0x44: {  	_ =	shalt  }
0x45: {  	_ =	shalt  }
0x46: {  	_ =	shalt  }
0x47: {  	_ =	shalt  }
0x48: {  	_ =	shalt  }
0x49: {  	_ =	shalt  }
0x4a: {  	_ =	shalt  }
0x4b: {  	_ =	shalt  }
0x4c: {  	_ =	shalt  }
0x4d: {  	_ =	shalt  }
0x4e: {  	_ =	shalt  }
0x4f: {  	_ =	shalt  }
0x50: {  	_ =	shalt  }
0x51: {  	_ =	shalt  }
0x52: {  	_ =	shalt  }
0x53: {  	_ =	shalt  }
0x54: {  	_ =	shalt  }
0x55: {  	_ =	shalt  }
0x56: {  	_ =	shalt  }
0x57: {  	_ =	shalt  }
0x58: {  	_ =	shalt  }
0x59: {  	_ =	shalt  }
0x5a: {  	_ =	shalt  }
0x5b: {  	_ =	shalt  }
0x5c: {  	_ =	shalt  }
0x5d: {  	_ =	shalt  }
0x5e: {  	_ =	shalt  }
0x5f: {  	_ =	shalt  }
0x60: {  	_ =	shalt  }
0x61: {  	_ =	shalt  }
0x62: {  	_ =	shalt  }
0x63: {  	_ =	shalt  }
0x64: {  	_ =	shalt  }
0x65: {  	_ =	shalt  }
0x66: {  	_ =	shalt  }
0x67: {  	_ =	shalt  }
0x68: {  	_ =	shalt  }
0x69: {  	_ =	shalt  }
0x6a: {  	_ =	shalt  }
0x6b: {  	_ =	shalt  }
0x6c: {  	_ =	shalt  }
0x6d: {  	_ =	shalt  }
0x6e: {  	_ =	shalt  }
0x6f: {  	_ =	shalt  }
0x70: {  	_ =	shalt  }
0x71: {  	_ =	shalt  }
0x72: {  	_ =	shalt  }
0x73: {  	_ =	shalt  }
0x74: {  	_ =	shalt  }
0x75: {  	_ =	shalt  }
0x76: {  	_ =	shalt  }
0x77: {  	_ =	shalt  }
0x78: {  	_ =	shalt  }
0x79: {  	_ =	shalt  }
0x7a: {  	_ =	shalt  }
0x7b: {  	_ =	shalt  }
0x7c: {  	_ =	shalt  }
0x7d: {  	_ =	shalt  }
0x7e: {  	_ =	shalt  }
0x7f: {  	_ =	shalt  }
0x80: {  	_ =	shalt  }
0x81: {  	_ =	shalt  }
0x82: {  	_ =	shalt  }
0x83: {  	_ =	shalt  }
0x84: {  	_ =	shalt  }
0x85: {  	_ =	shalt  }
0x86: {  	_ =	shalt  }
0x87: {  	_ =	shalt  }
.Lfunc_end0:
.L_simem_size_0:
called_computation_lowered:
.L_overlay_start_0:
0x88: {  	s2 =	sld [smem:$0x3FD9]  }
0x89: {  	s3 =	sld [smem:$0x3FFE];
	_ =	sdelay $0x1  }
0x8a: {  	s1 =	srdreg.scid  }
0x8b: {  	s0 =	sand.u32 $0x1, s1  }
0x8c: {  	s17 =	sshll.u32 s0, $0xA;
	s2 =	sadd.s32 s3, s2  }
0x8d: {  	s2 =	sadd.s32 s2, s17  }
0x8e: {  	[smem:$0x3FC0] =	sst s2  }
0x8f: {  	_ = 	snop  }
0x90: {  	s2 =	sld [smem:$0x3FD0];
	(tm) =	ssettm $0x1  }
0x91: {  	s18 =	sld [smem:$0x3FFB];
	_ =	sdelay $0x3  }
0x92: {  	_ =	strace s18  }
0x93: {  	s3 =	sld [smem:$0x3FFC];
	_ =	sdelay $0x3  }
0x94: {  	_ =	strace s3  }
0x95: {  	s3 =	sld [smem:$0x3FFD];
	_ =	sdelay $0x3  }
0x96: {  	_ =	strace s3  }
0x97: {  	_ =	strace $0x8FFFFFFF  }
0x98: {  	s19 =	sld [smem:$0x3FDB];
	_ =	sdelay $0x1  }
0x99: {  	s4 =	simm.s32 $_scs_section_size  }
0x9a: {  	s5 =	simm.s32 $_size__tile_overlayer_lowered;
	s6 =	simm.s32 $_tile_overlayer_lowered  }
0x9b: {  	s22 =	simm.s32 $0x1BFF;
	s21 =	sshll.u32 s6, $0x1;
	s3 =	sadd.s32 s4, s19  }
0x9c: {  	s7 =	simm.s32 $0x0;
	s20 =	sshll.u32 s5, $0x1;
	s5 =	sadd.s32 s21, s3  }
0x9d: {  	[timem:s7], [sflag:s22] =	dma.local [hbm:s5], s20  }
0x9e: {  	_ =	swait.ge [sflag:s22], s20  }
0x9f: {  	s4 =	ssub.s32 $0x0, s20;
	[sflag:s22] =	ssyncset.done $0x0  }
0xa0: {  	[sflag:s22] =	ssyncadd.s32 s4;
	_ =	sdelay $0x1  }
0xa1: {  	s23 =	simm.s32 $0x1B8B  }
0xa2: {  	_ =	swait.ge [sflag:s23], $0x1  }
0xa3: {  	[sflag:s23] =	ssyncset.done $0x0  }
0xa4: {  	s25 =	simm.s32 $0x1B8E;
	s24 =	sld [smem:$0x3FFE];
	[sflag:s23] =	ssyncadd.s32 $0xFFFFFFFF  }
0xa5: {  	s26 =	simm.s32 $execute0_lowered;
	[smem:$0x3FD2] =	sst s25  }
0xa6: {  	s5 =	sshll.u32 s26, $0x1;
	_ =	strace $0x80000046;
	[dreg:$0x1] =	wrdreg $0xFFFFFFFF  }
0xa7: {  	s28 =	simm.s32 $_size_execute0_lowered;
	s3 =	sadd.s32 s3, s5;
	[dreg:$0x0] =	wrdreg $0x0  }
0xa8: {  	s5 =	sshll.u32 s28, $0x1;
	[dreg:$0x2] =	wrdreg s3  }
0xa9: {  	[dreg:$0x3] =	wrdreg s5  }
0xaa: {  	[dreg:$0x4] =	wrdreg $0xC0  }
0xab: {  	_ =	task [dreg:s7], $0x5FFFF  }
0xac: {  	[dreg:$0x1] =	wrdreg $0xFFFFFFFF  }
0xad: {  	[dreg:$0x0] =	wrdreg $0x60  }
0xae: {  	[dreg:$0x2] =	wrdreg s2  }
0xaf: {  	[dreg:$0x3] =	wrdreg s24  }
0xb0: {  	[dreg:$0x4] =	wrdreg $0x2B000  }
0xb1: {  	[dreg:$0x5] =	wrdreg $0x9  }
0xb2: {  	_ =	task.clear_ibuf [dreg:s7], $0x6FFFF;
	_ =	strace $0x90000046  }
0xb3: {  	s29 =	simm.s32 $0x9;
	_ =	strace $0x80000048  }
0xb4: {  	_ =	swait.ge [sflag:s29], $0x1  }
0xb5: {  	[sflag:s29] =	ssyncadd.s32 $0xFFFFFFFF  }
0xb6: {  	_ =	strace $0x90000048  }
0xb7: {  	_ =	sfence  }
0xb8: {  	s30 =	sld [smem:$0x0];
	_ =	sdelay $0x2  }
0xb9: {  	s31 =	sshll.u32 s1, $0xD;
	s1 =	sshrl.u32 s1, $0x2  }
0xba: {  	s3 =	sand.u32 $0x4000, s31;
	s1 =	sadd.s32 s1, s30  }
0xbb: {  	s0 =	sor.u32 s3, s0;
	s1 =	sshll.u32 s1, $0x11  }
0xbc: {  	s0 =	sor.u32 s1, s0  }
0xbd: {  	s0 =	sadd.s32 $0x8F2B, s0  }
0xbe: {  	[sflag:s0] =	ssyncadd.remote.s32 $0x1  }
0xbf: {  	_ =	sfence.sel $0xFFFF  }
0xc0: {  	[dreg:$0x0] =	wrdreg $0xFFFFFFFF;
	(pc) =	sbr.abs _section_cstart, $3  }
0xc1: {  	[dreg:$0x1] =	wrdreg $0xFFFFFFFF  }
0xc2: {  	_ =	task.clear_ibuf [dreg:s7], $0x2FFFF;
	_ =	strace $0x9FFFFFFF  }
0xc3: {  	(tm) =	ssettm $0x7FFFFFFF  }
tec
execute0_lowered:
.L_overlay_start_1:
0x0: {  	(tag) =	ssettag $0x1  }
0x1: {  	s5 =	rddreg [dreg:$0x0]  }
0x2: {  	s6 =	rddreg [dreg:$0x1]  }
0x3: {  	s1 =	rddreg [dreg:$0x2]  }
0x4: {  	s0 =	rddreg [dreg:$0x3];
	s3 =	simm.s32 $0x0  }
0x5: {  	s4 =	srdreg.scid;
	s2 =	stileid.u32;
	s12 =	simm.s32 $0x2A80  }
0x6: {  	s15 =	simm.s32 $0x20;
	s16 =	simm.s32 $0x10;
	s17 =	simm.s32 $0x0  }
0x7: {  	[smem:$0x7FF] =	sst s3;
	s7 =	sand.u32 $0x1, s4;
	s8 =	smul.u32 $0x500, s2  }
0x8: {  	s4 =	sadd.s32 $0x2C00, s6;
	s30 =	smul.u32 $0xA00, s2;
	s13 =	sshll.u32 s2, $0x6  }
0x9: {  	_ =	strace $0x80000047;
	s9 =	sshll.u32 s7, $0x7;
	s10 =	sshll.u32 s7, $0x4  }
0xa: {  	s7 =	ssub.s32 $0x2, s7;
	s13 =	sor.u32 $0x1C01, s13;
	s8 =	sor.u32 s9, s8  }
0xb: {  	s29 =	sor.u32 s2, s10;
	s31 =	sshrl.u32 s7, $0x1;
	s10 =	sshrl.u32 s30, $0x2  }
0xc: {  	s8 =	sshrl.u32 s8, $0x3;
	s9 =	smul.u32 $0x500, s29;
	s11 =	ssub.s32 s7, s31  }
0xd: {  	s8 =	sadd.s32 s8, s6;
	s6 =	sadd.s32 s10, s1;
	s10 =	simm.s32 $0x2800  }
0xe: {  	s5 =	sadd.s32 s5, s9;
	s7 =	sadd.s32 $0x2E00, s8;
	s8 =	smax.u32 s11, $0x1  }
0xf: {  	s9 =	simm.s32 $0x1;
	s11 =	simm.s32 $0x80;
	s14 =	sshrl.u32 s6, $0x3  }
.LBB2_1:
0x10: {  	[tilespmem:s3], [sflag:$0x1] =	stream.linear.gather [hbm4b:s5+s3], $0x2780, $0x38;
	[tilespmem:$0x2D80] =	vst v63  }
0x11: {  	_ =	swait.ge [sflag:s9], $0x2780  }
0x12: {  	[sflag:s9] =	ssyncset.done $0x0  }
0x13: {  	[sflag:s9] =	ssyncadd.s32 $0xFFFFD880  }
0x14: {  	[tilespmem:s10], [sflag:$0x1] =	stream.linear.gather [hbm4b:s4+s3], $0x300, $0x38;
	[tilespmem:$0x2D80] =	vst v63  }
0x15: {  	_ =	swait.ge [sflag:s9], $0x300  }
0x16: {  	[sflag:s9] =	ssyncset.done $0x0  }
0x17: {  	[sflag:s9] =	ssyncadd.s32 $0xFFFFFD00  }
0x18: {  	[spmem:s6] =	stream.linear.scatter [tilespmem:s10], [sflag:$0x1], $0x280, $0x38;
	[tilespmem:$0x2D80] =	vst v63  }
0x19: {  	_ =	swait.ge [sflag:s9], $0x280  }
0x1a: {  	[sflag:s9] =	ssyncset.done $0x0  }
0x1b: {  	[sflag:s9] =	ssyncadd.s32 $0xFFFFFD80  }
0x1c: {  	s18 =	simm.s32 $0x0;
	[bflag:$0x0] =	sbarrier.arrive $0xFFFF  }
0x1d: {  	[spmem:s1] =	stream.indirect.scatter.add.f32 [tilespmem:s12], [sflag:$0x1], $0x1, s18, s11, $0xb8;
	[tilespmem:$0x2D80] =	vst v63  }
0x1e: {  	_ =	swait.ge [sflag:s9], $0x80  }
0x1f: {  	s18 =	simm.s32 $0x200;
	[sflag:s9] =	ssyncset.done $0x0  }
.LBB2_2:
0x20: {  	s19 =	sshra.s32 s18, $0x2;
	[sflag:s9] =	ssyncadd.s32 $0xFFFFFF80;
	p0 =	sne.s32 s18, $0x9C00  }
0x21: {  	[spmem:s1] =	stream.indirect.scatter.add.f32 [tilespmem:s12], [sflag:$0x1], $0x1, s19, s11, $0xb8;
	[tilespmem:$0x2D80] =	vst v63  }
.Ltmp0:
0x22: {  	_ = 	snop;
	(pc) =	sbr.rel @p0 .LBB2_2-.Ltmp0, $4  }
0x23: {  	_ = 	snop  }
0x24: {  	s18 =	sadd.s32 $0x200, s18  }
0x25: {  	_ =	swait.ge [sflag:s9], $0x80  }
0x26: {  	[sflag:s9] =	ssyncset.done $0x0  }
0x27: {  	s17 =	sadd.s32 $0x1, s17  }
0x28: {  	[sflag:s9] =	ssyncadd.s32 $0xFFFFFF80;
	p0 =	sne.s32 s17, s8  }
.Ltmp1:
0x29: {  	[bflag:$0x0] =	sbarrier.arrive $0xFFFF;
	(pc) =	sbr.rel @p0 .LBB2_1-.Ltmp1, $4  }
0x2a: {  	[hbm:s7@s15], [sflag:s13] =	dma.strided [spmem:s14@s16], $0x50, s9, $0x10   }
0x2b: {  	_ =	swait.ge [sflag:s9], $0x50  }
0x2c: {  	[sflag:s9] =	ssyncset.done $0x0  }
0x2d: {  	[sflag:s9] =	ssyncadd.s32 $0xFFFFFFB0  }
0x2e: {  	_ =	sfence.sel $0x180000  }
0x2f: {  	[bflag:$0x0] =	sbarrier.arrive $0xFFFF  }
0x30: {  	p0 =	sne.s32 s2, $0x0;
	_ =	strace $0x90000047  }
0x31: {  	s0 =	sadd.s32 @!p0 $0x100000, s0;
	[bflag:$0x2] =	sbarrier.arrive $0xFFFF  }
0x32: {  	[sflag:s0] =	ssyncadd.tile.s32 @!p0 $0x1;
	_ =	shalt  }
.Lfunc_end2:
_tile_overlayer_lowered:
.L_overlay_start_2:
0x33: {  	(tag) =	ssettag $0x2  }
0x34: {  	s0 =	rddreg [dreg:$0x0];
	s2 =	stileid.u32  }
0x35: {  	s1 =	rddreg [dreg:$0x1];
	p0 =	sne.s32 s2, $0x0  }
0x36: {  	s3 =	rddreg [dreg:$0x2];
	[bflag:$0x3] =	sbarrier.arrive $0xFFFF;
	s2 =	simm.s32 @!p0 $0x1C01  }
0x37: {  	[timem:s3], [sflag:s2] =	dma.local @!p0 [hbm:s0], s1  }
0x38: {  	s0 =	simm.s32 @!p0 $0x1  }
0x39: {  	_ =	swait.ge @!p0 [sflag:s0], s1  }
0x3a: {  	s1 =	ssub.s32 @!p0 $0x0, s1;
	[sflag:s0] =	ssyncset.done @!p0 $0x0  }
0x3b: {  	[sflag:s0] =	ssyncadd.s32 @!p0 s1  }
0x3c: {  	[bflag:$0x3] =	sbarrier.arrive $0xFFFF  }
0x3d: {  	_ =	shalt  }

</sc_bundles>
